<compile_context>
chip_gen: v7x
topology: tpu7x:2x2x1
jax: 0.10.2.dev20260603
libtpu: 0.0.44.dev20260713+nightly
codegen_flags: <defaults>
</compile_context>

<pallas_src>
import functools

import jax
import jax.numpy as jnp
from jax import lax
from jax.experimental import pallas as pl
from jax.experimental.pallas import tpu as pltpu
from jax.experimental.pallas import tpu_sc as plsc

B_, L1_, L2_, D_ = 16, 512, 2048, 768
K_ = 256
_NEG = -10000000000.0


def _tc_body(off, g1_ref, g2_ref, mrow_ref, gidx_ref, xmask_ref):
    b = pl.program_id(0) + off
    g1 = g1_ref[0]
    g2 = g2_ref[0]
    mrow = mrow_ref[0]
    mcol = jnp.transpose(jnp.broadcast_to(mrow, (8, L2_)))[:, 0:1]

    e = lax.dot_general(g1, g2, (((1,), (1,)), ((), ())),
                        preferred_element_type=jnp.float32)
    e = jnp.where(mrow > 0.5, e, _NEG)
    m = jnp.max(e, axis=1, keepdims=True)
    p = jnp.exp(e - m)
    s = jnp.sum(p, axis=1, keepdims=True)
    a = p / s
    w_row = jnp.sum(a, axis=0, keepdims=True)

    w8 = jnp.broadcast_to(w_row, (8, L2_))
    wT = jnp.transpose(w8)
    w_col = wT[:, 0:1]

    CH = 256
    TL = 128
    DIAG = CH // TL
    k_loc0 = lax.broadcasted_iota(jnp.int32, (CH, TL), 1)
    j_loc = lax.broadcasted_iota(jnp.int32, (CH, TL), 0)
    less_d = [(k_loc0 + d * TL) < j_loc for d in range(DIAG)]
    r_iota = lax.broadcasted_iota(jnp.int32, (CH, K_), 1)
    jg = lax.broadcasted_iota(jnp.int32, (CH, K_), 0)
    idx_sum = jnp.zeros((1, K_), jnp.int32)
    msk_sum = jnp.zeros((1, K_), jnp.float32)
    for c in range(L2_ // CH):
        wj = w_col[c * CH:(c + 1) * CH, :]
        acc = jnp.zeros((CH, TL), jnp.int32)
        for t in range(L2_ // TL):
            wk = w_row[:, t * TL:(t + 1) * TL]
            if t < c * DIAG:
                hit = (wk >= wj)
            elif t >= (c + 1) * DIAG:
                hit = (wk > wj)
            else:
                hit = (wk > wj) | ((wk == wj) & less_d[t - c * DIAG])
            acc = acc + hit.astype(jnp.int32)
        cnt = jnp.sum(acc, axis=1, keepdims=True)
        oh = (cnt == r_iota)
        idx_sum = idx_sum + jnp.sum(jnp.where(oh, c * CH + jg, 0),
                                    axis=0, keepdims=True)
        mj = mcol[c * CH:(c + 1) * CH, :]
        msk_sum = msk_sum + jnp.sum(jnp.where(oh, mj, 0.0),
                                    axis=0, keepdims=True)

    gidx_ref[...] = (idx_sum + b * L2_).reshape(1, 1, K_)
    xmask_ref[...] = msk_sum.reshape(1, 1, K_)


def _tc_topk(g_r1, g_r2, mask_row, off=0, nb=B_, interpret=False):
    return pl.pallas_call(
        functools.partial(_tc_body, off),
        grid=(nb,),
        in_specs=[
            pl.BlockSpec((1, L1_, D_), lambda b: (b + off, 0, 0)),
            pl.BlockSpec((1, L2_, D_), lambda b: (b + off, 0, 0)),
            pl.BlockSpec((1, 1, L2_), lambda b: (b + off, 0, 0)),
        ],
        out_specs=[
            pl.BlockSpec((1, 1, K_), lambda b: (b, 0, 0)),
            pl.BlockSpec((1, 1, K_), lambda b: (b, 0, 0)),
        ],
        out_shape=[
            jax.ShapeDtypeStruct((nb, 1, K_), jnp.int32),
            jax.ShapeDtypeStruct((nb, 1, K_), jnp.float32),
        ],
        interpret=interpret,
    )(g_r1, g_r2, mask_row)


_NC, _NS = 2, 16
_NW = _NC * _NS
_ROWS = B_ * K_
_BPW = _ROWS // _NW


@functools.lru_cache(maxsize=4)
def _sc_gather_fn(nrows):
    bpw = nrows // _NW

    half = bpw // 2

    @functools.partial(
        pl.kernel,
        mesh=plsc.VectorSubcoreMesh(core_axis_name="c", subcore_axis_name="s"),
        out_type=jax.ShapeDtypeStruct((nrows, D_), jnp.float32),
        scratch_types=[
            pltpu.VMEM((half,), jnp.int32),
            pltpu.VMEM((half,), jnp.int32),
            pltpu.VMEM((half, D_), jnp.float32),
            pltpu.VMEM((half, D_), jnp.float32),
            pltpu.SemaphoreType.DMA,
            pltpu.SemaphoreType.DMA,
            pltpu.SemaphoreType.DMA,
        ],
    )
    def _sc_gather(table_hbm, idx_hbm, out_hbm,
                   idx0, idx1, rows0, rows1, g0, g1, so):
        wid = lax.axis_index("s") * _NC + lax.axis_index("c")
        base = wid * bpw
        pltpu.sync_copy(idx_hbm.at[pl.ds(base, half)], idx0)
        a0 = pltpu.async_copy(table_hbm.at[idx0], rows0, g0)
        pltpu.sync_copy(idx_hbm.at[pl.ds(base + half, half)], idx1)
        a1 = pltpu.async_copy(table_hbm.at[idx1], rows1, g1)
        a0.wait()
        o0 = pltpu.async_copy(rows0, out_hbm.at[pl.ds(base, half)], so)
        a1.wait()
        o1 = pltpu.async_copy(rows1, out_hbm.at[pl.ds(base + half, half)], so)
        o0.wait()
        o1.wait()

    return _sc_gather


def kernel(g_r1, g_r2, g_r1_mask, g_r2_mask):
    mrow = g_r2_mask.reshape(B_, 1, L2_).astype(jnp.float32)
    table = g_r2.reshape(B_ * L2_, D_)
    gidx, xmask = _tc_topk(g_r1, g_r2, mrow)
    xflat = _sc_gather_fn(_ROWS)(table, gidx.reshape(_ROWS))
    x = xflat.reshape(B_, K_, D_)
    x_mask = (xmask.reshape(B_, 1, 1, K_) > 0.5)
    return (x, x_mask)

# --- scband reference (transcript-rebuilt; emitter-appended) ---
"""Pipeline reference for scband-select-attention-39848706572403 (READ-ONLY COPY).

The authoritative reference and input builder live on the scoring server;
editing this copy changes nothing except your own understanding.
"""

import jax, jax.numpy as jnp
import numpy as np

EMB_DIM = 768
LENGTH = 256
B, L1, L2 = 16, 512, 2048


def setup_inputs(seed: int = 0) -> dict:
    key = jax.random.key(seed)
    k1, k2, k3, k4 = jax.random.split(key, 4)
    g_r1 = jax.random.normal(k1, (B, L1, EMB_DIM), dtype=jnp.float32)
    g_r2 = jax.random.normal(k2, (B, L2, EMB_DIM), dtype=jnp.float32)
    g_r1_mask = jax.random.randint(k3, (B, 1, 1, L1), 0, 2).astype(bool)
    g_r2_mask = jax.random.randint(k4, (B, 1, 1, L2), 0, 2).astype(bool)
    return {"g_r1": g_r1, "g_r2": g_r2, "g_r1_mask": g_r1_mask, "g_r2_mask": g_r2_mask}


def reference(g_r1, g_r2, g_r1_mask, g_r2_mask):
    # align(): unsqueeze(1) on both streams
    g1 = g_r1[:, None, :, :]              # [B,1,L1,D]
    g2 = g_r2[:, None, :, :]              # [B,1,L2,D]
    # energy = g1 @ g2^T  -> [B,1,L1,L2]
    energy = jnp.matmul(g1, jnp.transpose(g2, (0, 1, 3, 2)))
    # masked_fill(g_r2_mask == False, -1e10); g_r2_mask is [B,1,1,L2], broadcasts
    energy = jnp.where(g_r2_mask, energy, jnp.float32(-10000000000.0))
    attention = jax.nn.softmax(energy, axis=-1)
    # sum over query axis (dim=-2), squeeze -> [B, L2]
    weights = jnp.sum(attention, axis=-2).reshape(B, L2)
    # descending sort, keep top `length` indices
    sort_idx = jnp.argsort(-weights, axis=-1)[:, :LENGTH]   # [B, LENGTH]
    # g_r2.squeeze() -> [B, L2, D]; g_r2_mask.squeeze() -> [B, L2]
    g2s = g_r2
    mask_s = g_r2_mask.reshape(B, L2)
    x_mask = jnp.take_along_axis(mask_s, sort_idx, axis=1)[:, None, None, :]  # [B,1,1,LENGTH]
    # gather rows of g_r2 by sorted indices
    x = jnp.take_along_axis(g2s, sort_idx[:, :, None], axis=1)  # [B,LENGTH,D]
    return (x, x_mask)

if __name__ == "__main__":
    import jax
    _d = setup_inputs()
    print(jax.jit(kernel)(*tuple(_d.values())))

</pallas_src>

<mosaic_0001>
#map = affine_map<(d0, d1) -> (0, 0)>
#map1 = affine_map<(d0, d1) -> (0)>
module attributes {stable_mosaic.version = 14 : i64} {
  func.func @_sc_gather(%arg0: i32, %arg1: i32, %arg2: memref<32768x768xf32, #tpu.memory_space<hbm>>, %arg3: memref<4096xi32, #tpu.memory_space<hbm>>, %arg4: memref<4096x768xf32, #tpu.memory_space<hbm>>, %arg5: memref<64xi32, #tpu.memory_space<vmem>>, %arg6: memref<64xi32, #tpu.memory_space<vmem>>, %arg7: memref<64x768xf32, #tpu.memory_space<vmem>>, %arg8: memref<64x768xf32, #tpu.memory_space<vmem>>, %arg9: memref<!tpu.dma_semaphore, #tpu.memory_space<semaphore_mem>>, %arg10: memref<!tpu.dma_semaphore, #tpu.memory_space<semaphore_mem>>, %arg11: memref<!tpu.dma_semaphore, #tpu.memory_space<semaphore_mem>>) attributes {dimension_semantics = [#tpu.dimension_semantics<core_parallel>, #tpu.dimension_semantics<subcore_parallel>], iteration_bounds = array<i64: 2, 16>, scalar_prefetch = 0 : i64, scratch_operands = 7 : i64, tpu.core_type = #tpu.core_type<sc_vector_subcore>, window_params = [{transform_indices = #map}, {transform_indices = #map1}, {transform_indices = #map}]} {
    %mul3A = arith.constant 2 : i32
    %mul3A_0 = arith.muli %arg1, %mul3A : i32
    %add3A = arith.addi %mul3A_0, %arg0 : i32
    %mul3A_1 = arith.constant 128 : i32
    %mul3A_2 = arith.muli %add3A, %mul3A_1 : i32
    "tpu.region"() ({
      %run_scoped3A = tpu.sem_alloc : memref<!tpu.dma_semaphore, #tpu.memory_space<semaphore_mem>>
      %dma_start3A_33 = tpu.memref_slice %arg3[%mul3A_2] : memref<4096xi32, #tpu.memory_space<hbm>> -> memref<64xi32, #tpu.memory_space<hbm>>
      %dma_start3A_34 = tpu.memref_slice %arg3[%mul3A_2] : memref<4096xi32, #tpu.memory_space<hbm>> -> memref<64xi32, #tpu.memory_space<hbm>>
      tpu.enqueue_dma source(%dma_start3A_34 : memref<64xi32, #tpu.memory_space<hbm>>) target(%arg5 : memref<64xi32, #tpu.memory_space<vmem>>) target_semaphore(%run_scoped3A : memref<!tpu.dma_semaphore, #tpu.memory_space<semaphore_mem>>)
      %dma_wait3A_35 = tpu.memref_slice %arg3[%mul3A_2] : memref<4096xi32, #tpu.memory_space<hbm>> -> memref<64xi32, #tpu.memory_space<hbm>>
      %dma_wait3A_36 = tpu.memref_slice %arg3[%mul3A_2] : memref<4096xi32, #tpu.memory_space<hbm>> -> memref<64xi32, #tpu.memory_space<hbm>>
      tpu.wait_dma2 semaphore(%run_scoped3A : memref<!tpu.dma_semaphore, #tpu.memory_space<semaphore_mem>>) src(%dma_wait3A_36 : memref<64xi32, #tpu.memory_space<hbm>>) dst(%arg5 : memref<64xi32, #tpu.memory_space<vmem>>)
      tpu.yield
    }) : () -> ()
    %dma_start3A = arith.constant 0 : i32
    %dma_start3A_3 = arith.constant 0 : i32
    %dma_start3A_4 = tpu.memref_slice %arg2[%dma_start3A, %dma_start3A_3] : memref<32768x768xf32, #tpu.memory_space<hbm>> -> memref<32768x768xf32, #tpu.memory_space<hbm>>
    tpu.enqueue_indirect_dma source(%dma_start3A_4 : memref<32768x768xf32, #tpu.memory_space<hbm>>) target(%arg7 : memref<64x768xf32, #tpu.memory_space<vmem>>) offsets(%arg5 : memref<64xi32, #tpu.memory_space<vmem>>) semaphore(%arg9 : memref<!tpu.dma_semaphore, #tpu.memory_space<semaphore_mem>>)
    %add3A_5 = arith.constant 64 : i32
    %add3A_6 = arith.addi %mul3A_2, %add3A_5 : i32
    "tpu.region"() ({
      %run_scoped3A = tpu.sem_alloc : memref<!tpu.dma_semaphore, #tpu.memory_space<semaphore_mem>>
      %dma_start3A_33 = tpu.memref_slice %arg3[%add3A_6] : memref<4096xi32, #tpu.memory_space<hbm>> -> memref<64xi32, #tpu.memory_space<hbm>>
      %dma_start3A_34 = tpu.memref_slice %arg3[%add3A_6] : memref<4096xi32, #tpu.memory_space<hbm>> -> memref<64xi32, #tpu.memory_space<hbm>>
      tpu.enqueue_dma source(%dma_start3A_34 : memref<64xi32, #tpu.memory_space<hbm>>) target(%arg6 : memref<64xi32, #tpu.memory_space<vmem>>) target_semaphore(%run_scoped3A : memref<!tpu.dma_semaphore, #tpu.memory_space<semaphore_mem>>)
      %dma_wait3A_35 = tpu.memref_slice %arg3[%add3A_6] : memref<4096xi32, #tpu.memory_space<hbm>> -> memref<64xi32, #tpu.memory_space<hbm>>
      %dma_wait3A_36 = tpu.memref_slice %arg3[%add3A_6] : memref<4096xi32, #tpu.memory_space<hbm>> -> memref<64xi32, #tpu.memory_space<hbm>>
      tpu.wait_dma2 semaphore(%run_scoped3A : memref<!tpu.dma_semaphore, #tpu.memory_space<semaphore_mem>>) src(%dma_wait3A_36 : memref<64xi32, #tpu.memory_space<hbm>>) dst(%arg6 : memref<64xi32, #tpu.memory_space<vmem>>)
      tpu.yield
    }) : () -> ()
    %dma_start3A_7 = arith.constant 0 : i32
    %dma_start3A_8 = arith.constant 0 : i32
    %dma_start3A_9 = tpu.memref_slice %arg2[%dma_start3A_7, %dma_start3A_8] : memref<32768x768xf32, #tpu.memory_space<hbm>> -> memref<32768x768xf32, #tpu.memory_space<hbm>>
    tpu.enqueue_indirect_dma source(%dma_start3A_9 : memref<32768x768xf32, #tpu.memory_space<hbm>>) target(%arg8 : memref<64x768xf32, #tpu.memory_space<vmem>>) offsets(%arg6 : memref<64xi32, #tpu.memory_space<vmem>>) semaphore(%arg10 : memref<!tpu.dma_semaphore, #tpu.memory_space<semaphore_mem>>)
    %dma_wait3A = arith.constant 0 : i32
    %dma_wait3A_10 = arith.constant 0 : i32
    %dma_wait3A_11 = tpu.memref_slice %arg2[%dma_wait3A, %dma_wait3A_10] : memref<32768x768xf32, #tpu.memory_space<hbm>> -> memref<32768x768xf32, #tpu.memory_space<hbm>>
    tpu.wait_indirect_dma semaphore(%arg9 : memref<!tpu.dma_semaphore, #tpu.memory_space<semaphore_mem>>) src(%dma_wait3A_11 : memref<32768x768xf32, #tpu.memory_space<hbm>>) dst(%arg7 : memref<64x768xf32, #tpu.memory_space<vmem>>)
    %dma_start3A_12 = arith.constant 0 : i32
    %dma_start3A_13 = tpu.memref_slice %arg4[%mul3A_2, %dma_start3A_12] : memref<4096x768xf32, #tpu.memory_space<hbm>> -> memref<64x768xf32, #tpu.memory_space<hbm>>
    %dma_start3A_14 = arith.constant 0 : i32
    %dma_start3A_15 = tpu.memref_slice %arg4[%mul3A_2, %dma_start3A_14] : memref<4096x768xf32, #tpu.memory_space<hbm>> -> memref<64x768xf32, #tpu.memory_space<hbm>>
    tpu.enqueue_dma source(%arg7 : memref<64x768xf32, #tpu.memory_space<vmem>>) target(%dma_start3A_15 : memref<64x768xf32, #tpu.memory_space<hbm>>) target_semaphore(%arg11 : memref<!tpu.dma_semaphore, #tpu.memory_space<semaphore_mem>>)
    %dma_wait3A_16 = arith.constant 0 : i32
    %dma_wait3A_17 = arith.constant 0 : i32
    %dma_wait3A_18 = tpu.memref_slice %arg2[%dma_wait3A_16, %dma_wait3A_17] : memref<32768x768xf32, #tpu.memory_space<hbm>> -> memref<32768x768xf32, #tpu.memory_space<hbm>>
    tpu.wait_indirect_dma semaphore(%arg10 : memref<!tpu.dma_semaphore, #tpu.memory_space<semaphore_mem>>) src(%dma_wait3A_18 : memref<32768x768xf32, #tpu.memory_space<hbm>>) dst(%arg8 : memref<64x768xf32, #tpu.memory_space<vmem>>)
    %add3A_19 = arith.constant 64 : i32
    %add3A_20 = arith.addi %mul3A_2, %add3A_19 : i32
    %dma_start3A_21 = arith.constant 0 : i32
    %dma_start3A_22 = tpu.memref_slice %arg4[%add3A_20, %dma_start3A_21] : memref<4096x768xf32, #tpu.memory_space<hbm>> -> memref<64x768xf32, #tpu.memory_space<hbm>>
    %dma_start3A_23 = arith.constant 0 : i32
    %dma_start3A_24 = tpu.memref_slice %arg4[%add3A_20, %dma_start3A_23] : memref<4096x768xf32, #tpu.memory_space<hbm>> -> memref<64x768xf32, #tpu.memory_space<hbm>>
    tpu.enqueue_dma source(%arg8 : memref<64x768xf32, #tpu.memory_space<vmem>>) target(%dma_start3A_24 : memref<64x768xf32, #tpu.memory_space<hbm>>) target_semaphore(%arg11 : memref<!tpu.dma_semaphore, #tpu.memory_space<semaphore_mem>>)
    %dma_wait3A_25 = arith.constant 0 : i32
    %dma_wait3A_26 = tpu.memref_slice %arg4[%mul3A_2, %dma_wait3A_25] : memref<4096x768xf32, #tpu.memory_space<hbm>> -> memref<64x768xf32, #tpu.memory_space<hbm>>
    %dma_wait3A_27 = arith.constant 0 : i32
    %dma_wait3A_28 = tpu.memref_slice %arg4[%mul3A_2, %dma_wait3A_27] : memref<4096x768xf32, #tpu.memory_space<hbm>> -> memref<64x768xf32, #tpu.memory_space<hbm>>
    tpu.wait_dma2 semaphore(%arg11 : memref<!tpu.dma_semaphore, #tpu.memory_space<semaphore_mem>>) src(%arg7 : memref<64x768xf32, #tpu.memory_space<vmem>>) dst(%dma_wait3A_28 : memref<64x768xf32, #tpu.memory_space<hbm>>)
    %dma_wait3A_29 = arith.constant 0 : i32
    %dma_wait3A_30 = tpu.memref_slice %arg4[%add3A_20, %dma_wait3A_29] : memref<4096x768xf32, #tpu.memory_space<hbm>> -> memref<64x768xf32, #tpu.memory_space<hbm>>
    %dma_wait3A_31 = arith.constant 0 : i32
    %dma_wait3A_32 = tpu.memref_slice %arg4[%add3A_20, %dma_wait3A_31] : memref<4096x768xf32, #tpu.memory_space<hbm>> -> memref<64x768xf32, #tpu.memory_space<hbm>>
    tpu.wait_dma2 semaphore(%arg11 : memref<!tpu.dma_semaphore, #tpu.memory_space<semaphore_mem>>) src(%arg8 : memref<64x768xf32, #tpu.memory_space<vmem>>) dst(%dma_wait3A_32 : memref<64x768xf32, #tpu.memory_space<hbm>>)
    return
  }
}

module attributes {stable_mosaic.version = 14 : i64} {
  func.func @_tc_body(%arg0: i32, %arg1: memref<1x512x768xf32, #tpu.memory_space<vmem>>, %arg2: memref<1x2048x768xf32, #tpu.memory_space<vmem>>, %arg3: memref<1x1x2048xf32, #tpu.memory_space<vmem>>, %arg4: memref<1x1x256xi32, #tpu.memory_space<vmem>>, %arg5: memref<1x1x256xf32, #tpu.memory_space<vmem>>) attributes {dimension_semantics = [#tpu.dimension_semantics<arbitrary>], iteration_bounds = array<i64: 16>, scalar_prefetch = 0 : i64, scratch_operands = 0 : i64, tpu.core_type = #tpu.core_type<tc>, window_params = [{transform_indices = @transform_0, window_bounds = array<i64: 1, 512, 768>}, {transform_indices = @transform_1, window_bounds = array<i64: 1, 2048, 768>}, {transform_indices = @transform_2, window_bounds = array<i64: 1, 1, 2048>}, {transform_indices = @transform_3, window_bounds = array<i64: 1, 1, 256>}, {transform_indices = @transform_4, window_bounds = array<i64: 1, 1, 256>}]} {
    %add3A = arith.constant 0 : i32
    %add3A_0 = arith.addi %arg0, %add3A : i32
    %get3A = arith.constant 0 : index
    %get3A_1 = arith.constant 0 : index
    %get3A_2 = arith.constant 0 : index
    %get3A_3 = vector.load %arg1[%get3A, %get3A_1, %get3A_2] : memref<1x512x768xf32, #tpu.memory_space<vmem>>, vector<1x512x768xf32>
    %get3A_4 = vector.shape_cast %get3A_3 : vector<1x512x768xf32> to vector<512x768xf32>
    %get3A_5 = arith.constant 0 : index
    %get3A_6 = arith.constant 0 : index
    %get3A_7 = arith.constant 0 : index
    %get3A_8 = vector.load %arg2[%get3A_5, %get3A_6, %get3A_7] : memref<1x2048x768xf32, #tpu.memory_space<vmem>>, vector<1x2048x768xf32>
    %get3A_9 = vector.shape_cast %get3A_8 : vector<1x2048x768xf32> to vector<2048x768xf32>
    %get3A_10 = arith.constant 0 : index
    %get3A_11 = arith.constant 0 : index
    %get3A_12 = arith.constant 0 : index
    %get3A_13 = vector.load %arg3[%get3A_10, %get3A_11, %get3A_12] : memref<1x1x2048xf32, #tpu.memory_space<vmem>>, vector<1x1x2048xf32>
    %get3A_14 = vector.shape_cast %get3A_13 : vector<1x1x2048xf32> to vector<1x2048xf32>
    %broadcast_in_dim3A = vector.shape_cast %get3A_14 : vector<1x2048xf32> to vector<1x2048xf32>
    %broadcast_in_dim3A_15 = vector.broadcast %broadcast_in_dim3A : vector<1x2048xf32> to vector<8x2048xf32>
    %transpose3A = tpu.transpose %broadcast_in_dim3A_15, [1, 0] : vector<8x2048xf32> -> vector<2048x8xf32>
    %slice3A = vector.extract_strided_slice %transpose3A {offsets = [0, 0], sizes = [2048, 1], strides = [1, 1]} : vector<2048x8xf32> to vector<2048x1xf32>
    %dot_general3A = arith.constant dense<0.000000e+00> : vector<512x2048xf32>
    %dot_general3A_16 = tpu.matmul %get3A_4, %get3A_9, %dot_general3A {dimension_numbers = #tpu.dot_dimension_numbers<[1], [1], [0], [0], [0, 0, 1, 0], [], []>, transpose_lhs_hint = false} : vector<512x768xf32>, vector<2048x768xf32>, vector<512x2048xf32> -> vector<512x2048xf32>
    %gt3A = arith.constant 5.000000e-01 : f32
    %gt3A_17 = vector.broadcast %gt3A : f32 to vector<1x2048xf32>
    %gt3A_18 = arith.cmpf ogt, %get3A_14, %gt3A_17 : vector<1x2048xf32>
    %jit3A = arith.constant -1.000000e+10 : f32
    %broadcast_in_dim3A_19 = vector.shape_cast %gt3A_18 : vector<1x2048xi1> to vector<1x2048xi1>
    %broadcast_in_dim3A_20 = vector.broadcast %broadcast_in_dim3A_19 : vector<1x2048xi1> to vector<512x2048xi1>
    %broadcast_in_dim3A_21 = vector.broadcast %jit3A : f32 to vector<512x2048xf32>
    %select_n3A = arith.select %broadcast_in_dim3A_20, %dot_general3A_16, %broadcast_in_dim3A_21 : vector<512x2048xi1>, vector<512x2048xf32>
    %reduce_max3A = arith.constant dense<0xFF800000> : vector<512xf32>
    %reduce_max3A_22 = vector.multi_reduction <maximumf>, %select_n3A, %reduce_max3A [1] : vector<512x2048xf32> to vector<512xf32>
    %broadcast_in_dim3A_23 = vector.shape_cast %reduce_max3A_22 : vector<512xf32> to vector<512x1xf32>
    %sub3A = vector.broadcast %broadcast_in_dim3A_23 : vector<512x1xf32> to vector<512x2048xf32>
    %sub3A_24 = arith.subf %select_n3A, %sub3A : vector<512x2048xf32>
    %exp3A = math.exp %sub3A_24 : vector<512x2048xf32>
    %reduce_sum3A = arith.constant dense<0.000000e+00> : vector<512xf32>
    %reduce_sum3A_25 = vector.multi_reduction <add>, %exp3A, %reduce_sum3A [1] : vector<512x2048xf32> to vector<512xf32>
    %broadcast_in_dim3A_26 = vector.shape_cast %reduce_sum3A_25 : vector<512xf32> to vector<512x1xf32>
    %div3A = vector.broadcast %broadcast_in_dim3A_26 : vector<512x1xf32> to vector<512x2048xf32>
    %div3A_27 = arith.divf %exp3A, %div3A : vector<512x2048xf32>
    %reduce_sum3A_28 = arith.constant dense<0.000000e+00> : vector<2048xf32>
    %reduce_sum3A_29 = vector.multi_reduction <add>, %div3A_27, %reduce_sum3A_28 [0] : vector<512x2048xf32> to vector<2048xf32>
    %broadcast_in_dim3A_30 = vector.shape_cast %reduce_sum3A_29 : vector<2048xf32> to vector<1x2048xf32>
    %broadcast_in_dim3A_31 = vector.shape_cast %broadcast_in_dim3A_30 : vector<1x2048xf32> to vector<1x2048xf32>
    %broadcast_in_dim3A_32 = vector.broadcast %broadcast_in_dim3A_31 : vector<1x2048xf32> to vector<8x2048xf32>
    %transpose3A_33 = tpu.transpose %broadcast_in_dim3A_32, [1, 0] : vector<8x2048xf32> -> vector<2048x8xf32>
    %slice3A_34 = vector.extract_strided_slice %transpose3A_33 {offsets = [0, 0], sizes = [2048, 1], strides = [1, 1]} : vector<2048x8xf32> to vector<2048x1xf32>
    %iota3A = tpu.iota {dimensions = array<i32: 1>} : vector<256x128xi32>
    %iota3A_35 = tpu.iota {dimensions = array<i32: 0>} : vector<256x128xi32>
    %add3A_36 = arith.constant 0 : i32
    %add3A_37 = vector.broadcast %add3A_36 : i32 to vector<256x128xi32>
    %add3A_38 = arith.addi %iota3A, %add3A_37 : vector<256x128xi32>
    %lt3A = arith.cmpi slt, %add3A_38, %iota3A_35 : vector<256x128xi32>
    %add3A_39 = arith.constant 128 : i32
    %add3A_40 = vector.broadcast %add3A_39 : i32 to vector<256x128xi32>
    %add3A_41 = arith.addi %iota3A, %add3A_40 : vector<256x128xi32>
    %lt3A_42 = arith.cmpi slt, %add3A_41, %iota3A_35 : vector<256x128xi32>
    %iota3A_43 = tpu.iota {dimensions = array<i32: 1>} : vector<256x256xi32>
    %iota3A_44 = tpu.iota {dimensions = array<i32: 0>} : vector<256x256xi32>
    %broadcast_in_dim3A_45 = arith.constant 0 : i32
    %broadcast_in_dim3A_46 = vector.broadcast %broadcast_in_dim3A_45 : i32 to vector<1x256xi32>
    %broadcast_in_dim3A_47 = arith.constant 0.000000e+00 : f32
    %broadcast_in_dim3A_48 = vector.broadcast %broadcast_in_dim3A_47 : f32 to vector<1x256xf32>
    %slice3A_49 = vector.extract_strided_slice %slice3A_34 {offsets = [0, 0], sizes = [256, 1], strides = [1, 1]} : vector<2048x1xf32> to vector<256x1xf32>
    %broadcast_in_dim3A_50 = arith.constant 0 : i32
    %broadcast_in_dim3A_51 = vector.broadcast %broadcast_in_dim3A_50 : i32 to vector<256x128xi32>
    %slice3A_52 = vector.extract_strided_slice %broadcast_in_dim3A_30 {offsets = [0, 0], sizes = [1, 128], strides = [1, 1]} : vector<1x2048xf32> to vector<1x128xf32>
    %gt3A_53 = vector.broadcast %slice3A_52 : vector<1x128xf32> to vector<256x128xf32>
    %gt3A_54 = vector.broadcast %slice3A_49 : vector<256x1xf32> to vector<256x128xf32>
    %gt3A_55 = arith.cmpf ogt, %gt3A_53, %gt3A_54 : vector<256x128xf32>
    %eq3A = vector.broadcast %slice3A_52 : vector<1x128xf32> to vector<256x128xf32>
    %eq3A_56 = vector.broadcast %slice3A_49 : vector<256x1xf32> to vector<256x128xf32>
    %eq3A_57 = arith.cmpf oeq, %eq3A, %eq3A_56 : vector<256x128xf32>
    %and3A = arith.andi %eq3A_57, %lt3A : vector<256x128xi1>
    %or3A = arith.ori %gt3A_55, %and3A : vector<256x128xi1>
    %convert_element_type3A = arith.extui %or3A : vector<256x128xi1> to vector<256x128xi32>
    %add3A_58 = arith.addi %broadcast_in_dim3A_51, %convert_element_type3A : vector<256x128xi32>
    %slice3A_59 = vector.extract_strided_slice %broadcast_in_dim3A_30 {offsets = [0, 128], sizes = [1, 128], strides = [1, 1]} : vector<1x2048xf32> to vector<1x128xf32>
    %gt3A_60 = vector.broadcast %slice3A_59 : vector<1x128xf32> to vector<256x128xf32>
    %gt3A_61 = vector.broadcast %slice3A_49 : vector<256x1xf32> to vector<256x128xf32>
    %gt3A_62 = arith.cmpf ogt, %gt3A_60, %gt3A_61 : vector<256x128xf32>
    %eq3A_63 = vector.broadcast %slice3A_59 : vector<1x128xf32> to vector<256x128xf32>
    %eq3A_64 = vector.broadcast %slice3A_49 : vector<256x1xf32> to vector<256x128xf32>
    %eq3A_65 = arith.cmpf oeq, %eq3A_63, %eq3A_64 : vector<256x128xf32>
    %and3A_66 = arith.andi %eq3A_65, %lt3A_42 : vector<256x128xi1>
    %or3A_67 = arith.ori %gt3A_62, %and3A_66 : vector<256x128xi1>
    %convert_element_type3A_68 = arith.extui %or3A_67 : vector<256x128xi1> to vector<256x128xi32>
    %add3A_69 = arith.addi %add3A_58, %convert_element_type3A_68 : vector<256x128xi32>
    %slice3A_70 = vector.extract_strided_slice %broadcast_in_dim3A_30 {offsets = [0, 256], sizes = [1, 128], strides = [1, 1]} : vector<1x2048xf32> to vector<1x128xf32>
    %gt3A_71 = vector.broadcast %slice3A_70 : vector<1x128xf32> to vector<256x128xf32>
    %gt3A_72 = vector.broadcast %slice3A_49 : vector<256x1xf32> to vector<256x128xf32>
    %gt3A_73 = arith.cmpf ogt, %gt3A_71, %gt3A_72 : vector<256x128xf32>
    %convert_element_type3A_74 = arith.extui %gt3A_73 : vector<256x128xi1> to vector<256x128xi32>
    %add3A_75 = arith.addi %add3A_69, %convert_element_type3A_74 : vector<256x128xi32>
    %slice3A_76 = vector.extract_strided_slice %broadcast_in_dim3A_30 {offsets = [0, 384], sizes = [1, 128], strides = [1, 1]} : vector<1x2048xf32> to vector<1x128xf32>
    %gt3A_77 = vector.broadcast %slice3A_76 : vector<1x128xf32> to vector<256x128xf32>
    %gt3A_78 = vector.broadcast %slice3A_49 : vector<256x1xf32> to vector<256x128xf32>
    %gt3A_79 = arith.cmpf ogt, %gt3A_77, %gt3A_78 : vector<256x128xf32>
    %convert_element_type3A_80 = arith.extui %gt3A_79 : vector<256x128xi1> to vector<256x128xi32>
    %add3A_81 = arith.addi %add3A_75, %convert_element_type3A_80 : vector<256x128xi32>
    %slice3A_82 = vector.extract_strided_slice %broadcast_in_dim3A_30 {offsets = [0, 512], sizes = [1, 128], strides = [1, 1]} : vector<1x2048xf32> to vector<1x128xf32>
    %gt3A_83 = vector.broadcast %slice3A_82 : vector<1x128xf32> to vector<256x128xf32>
    %gt3A_84 = vector.broadcast %slice3A_49 : vector<256x1xf32> to vector<256x128xf32>
    %gt3A_85 = arith.cmpf ogt, %gt3A_83, %gt3A_84 : vector<256x128xf32>
    %convert_element_type3A_86 = arith.extui %gt3A_85 : vector<256x128xi1> to vector<256x128xi32>
    %add3A_87 = arith.addi %add3A_81, %convert_element_type3A_86 : vector<256x128xi32>
    %slice3A_88 = vector.extract_strided_slice %broadcast_in_dim3A_30 {offsets = [0, 640], sizes = [1, 128], strides = [1, 1]} : vector<1x2048xf32> to vector<1x128xf32>
    %gt3A_89 = vector.broadcast %slice3A_88 : vector<1x128xf32> to vector<256x128xf32>
    %gt3A_90 = vector.broadcast %slice3A_49 : vector<256x1xf32> to vector<256x128xf32>
    %gt3A_91 = arith.cmpf ogt, %gt3A_89, %gt3A_90 : vector<256x128xf32>
    %convert_element_type3A_92 = arith.extui %gt3A_91 : vector<256x128xi1> to vector<256x128xi32>
    %add3A_93 = arith.addi %add3A_87, %convert_element_type3A_92 : vector<256x128xi32>
    %slice3A_94 = vector.extract_strided_slice %broadcast_in_dim3A_30 {offsets = [0, 768], sizes = [1, 128], strides = [1, 1]} : vector<1x2048xf32> to vector<1x128xf32>
    %gt3A_95 = vector.broadcast %slice3A_94 : vector<1x128xf32> to vector<256x128xf32>
    %gt3A_96 = vector.broadcast %slice3A_49 : vector<256x1xf32> to vector<256x128xf32>
    %gt3A_97 = arith.cmpf ogt, %gt3A_95, %gt3A_96 : vector<256x128xf32>
    %convert_element_type3A_98 = arith.extui %gt3A_97 : vector<256x128xi1> to vector<256x128xi32>
    %add3A_99 = arith.addi %add3A_93, %convert_element_type3A_98 : vector<256x128xi32>
    %slice3A_100 = vector.extract_strided_slice %broadcast_in_dim3A_30 {offsets = [0, 896], sizes = [1, 128], strides = [1, 1]} : vector<1x2048xf32> to vector<1x128xf32>
    %gt3A_101 = vector.broadcast %slice3A_100 : vector<1x128xf32> to vector<256x128xf32>
    %gt3A_102 = vector.broadcast %slice3A_49 : vector<256x1xf32> to vector<256x128xf32>
    %gt3A_103 = arith.cmpf ogt, %gt3A_101, %gt3A_102 : vector<256x128xf32>
    %convert_element_type3A_104 = arith.extui %gt3A_103 : vector<256x128xi1> to vector<256x128xi32>
    %add3A_105 = arith.addi %add3A_99, %convert_element_type3A_104 : vector<256x128xi32>
    %slice3A_106 = vector.extract_strided_slice %broadcast_in_dim3A_30 {offsets = [0, 1024], sizes = [1, 128], strides = [1, 1]} : vector<1x2048xf32> to vector<1x128xf32>
    %gt3A_107 = vector.broadcast %slice3A_106 : vector<1x128xf32> to vector<256x128xf32>
    %gt3A_108 = vector.broadcast %slice3A_49 : vector<256x1xf32> to vector<256x128xf32>
    %gt3A_109 = arith.cmpf ogt, %gt3A_107, %gt3A_108 : vector<256x128xf32>
    %convert_element_type3A_110 = arith.extui %gt3A_109 : vector<256x128xi1> to vector<256x128xi32>
    %add3A_111 = arith.addi %add3A_105, %convert_element_type3A_110 : vector<256x128xi32>
    %slice3A_112 = vector.extract_strided_slice %broadcast_in_dim3A_30 {offsets = [0, 1152], sizes = [1, 128], strides = [1, 1]} : vector<1x2048xf32> to vector<1x128xf32>
    %gt3A_113 = vector.broadcast %slice3A_112 : vector<1x128xf32> to vector<256x128xf32>
    %gt3A_114 = vector.broadcast %slice3A_49 : vector<256x1xf32> to vector<256x128xf32>
    %gt3A_115 = arith.cmpf ogt, %gt3A_113, %gt3A_114 : vector<256x128xf32>
    %convert_element_type3A_116 = arith.extui %gt3A_115 : vector<256x128xi1> to vector<256x128xi32>
    %add3A_117 = arith.addi %add3A_111, %convert_element_type3A_116 : vector<256x128xi32>
    %slice3A_118 = vector.extract_strided_slice %broadcast_in_dim3A_30 {offsets = [0, 1280], sizes = [1, 128], strides = [1, 1]} : vector<1x2048xf32> to vector<1x128xf32>
    %gt3A_119 = vector.broadcast %slice3A_118 : vector<1x128xf32> to vector<256x128xf32>
    %gt3A_120 = vector.broadcast %slice3A_49 : vector<256x1xf32> to vector<256x128xf32>
    %gt3A_121 = arith.cmpf ogt, %gt3A_119, %gt3A_120 : vector<256x128xf32>
    %convert_element_type3A_122 = arith.extui %gt3A_121 : vector<256x128xi1> to vector<256x128xi32>
    %add3A_123 = arith.addi %add3A_117, %convert_element_type3A_122 : vector<256x128xi32>
    %slice3A_124 = vector.extract_strided_slice %broadcast_in_dim3A_30 {offsets = [0, 1408], sizes = [1, 128], strides = [1, 1]} : vector<1x2048xf32> to vector<1x128xf32>
    %gt3A_125 = vector.broadcast %slice3A_124 : vector<1x128xf32> to vector<256x128xf32>
    %gt3A_126 = vector.broadcast %slice3A_49 : vector<256x1xf32> to vector<256x128xf32>
    %gt3A_127 = arith.cmpf ogt, %gt3A_125, %gt3A_126 : vector<256x128xf32>
    %convert_element_type3A_128 = arith.extui %gt3A_127 : vector<256x128xi1> to vector<256x128xi32>
    %add3A_129 = arith.addi %add3A_123, %convert_element_type3A_128 : vector<256x128xi32>
    %slice3A_130 = vector.extract_strided_slice %broadcast_in_dim3A_30 {offsets = [0, 1536], sizes = [1, 128], strides = [1, 1]} : vector<1x2048xf32> to vector<1x128xf32>
    %gt3A_131 = vector.broadcast %slice3A_130 : vector<1x128xf32> to vector<256x128xf32>
    %gt3A_132 = vector.broadcast %slice3A_49 : vector<256x1xf32> to vector<256x128xf32>
    %gt3A_133 = arith.cmpf ogt, %gt3A_131, %gt3A_132 : vector<256x128xf32>
    %convert_element_type3A_134 = arith.extui %gt3A_133 : vector<256x128xi1> to vector<256x128xi32>
    %add3A_135 = arith.addi %add3A_129, %convert_element_type3A_134 : vector<256x128xi32>
    %slice3A_136 = vector.extract_strided_slice %broadcast_in_dim3A_30 {offsets = [0, 1664], sizes = [1, 128], strides = [1, 1]} : vector<1x2048xf32> to vector<1x128xf32>
    %gt3A_137 = vector.broadcast %slice3A_136 : vector<1x128xf32> to vector<256x128xf32>
    %gt3A_138 = vector.broadcast %slice3A_49 : vector<256x1xf32> to vector<256x128xf32>
    %gt3A_139 = arith.cmpf ogt, %gt3A_137, %gt3A_138 : vector<256x128xf32>
    %convert_element_type3A_140 = arith.extui %gt3A_139 : vector<256x128xi1> to vector<256x128xi32>
    %add3A_141 = arith.addi %add3A_135, %convert_element_type3A_140 : vector<256x128xi32>
    %slice3A_142 = vector.extract_strided_slice %broadcast_in_dim3A_30 {offsets = [0, 1792], sizes = [1, 128], strides = [1, 1]} : vector<1x2048xf32> to vector<1x128xf32>
    %gt3A_143 = vector.broadcast %slice3A_142 : vector<1x128xf32> to vector<256x128xf32>
    %gt3A_144 = vector.broadcast %slice3A_49 : vector<256x1xf32> to vector<256x128xf32>
    %gt3A_145 = arith.cmpf ogt, %gt3A_143, %gt3A_144 : vector<256x128xf32>
    %convert_element_type3A_146 = arith.extui %gt3A_145 : vector<256x128xi1> to vector<256x128xi32>
    %add3A_147 = arith.addi %add3A_141, %convert_element_type3A_146 : vector<256x128xi32>
    %slice3A_148 = vector.extract_strided_slice %broadcast_in_dim3A_30 {offsets = [0, 1920], sizes = [1, 128], strides = [1, 1]} : vector<1x2048xf32> to vector<1x128xf32>
    %gt3A_149 = vector.broadcast %slice3A_148 : vector<1x128xf32> to vector<256x128xf32>
    %gt3A_150 = vector.broadcast %slice3A_49 : vector<256x1xf32> to vector<256x128xf32>
    %gt3A_151 = arith.cmpf ogt, %gt3A_149, %gt3A_150 : vector<256x128xf32>
    %convert_element_type3A_152 = arith.extui %gt3A_151 : vector<256x128xi1> to vector<256x128xi32>
    %add3A_153 = arith.addi %add3A_147, %convert_element_type3A_152 : vector<256x128xi32>
    %reduce_sum3A_154 = arith.constant dense<0> : vector<256xi32>
    %reduce_sum3A_155 = vector.multi_reduction <add>, %add3A_153, %reduce_sum3A_154 [1] : vector<256x128xi32> to vector<256xi32>
    %broadcast_in_dim3A_156 = vector.shape_cast %reduce_sum3A_155 : vector<256xi32> to vector<256x1xi32>
    %eq3A_157 = vector.broadcast %broadcast_in_dim3A_156 : vector<256x1xi32> to vector<256x256xi32>
    %eq3A_158 = arith.cmpi eq, %eq3A_157, %iota3A_43 : vector<256x256xi32>
    %add3A_159 = arith.constant 0 : i32
    %add3A_160 = vector.broadcast %add3A_159 : i32 to vector<256x256xi32>
    %add3A_161 = arith.addi %add3A_160, %iota3A_44 : vector<256x256xi32>
    %jit3A_162 = arith.constant 0 : i32
    %broadcast_in_dim3A_163 = vector.broadcast %jit3A_162 : i32 to vector<256x256xi32>
    %select_n3A_164 = arith.select %eq3A_158, %add3A_161, %broadcast_in_dim3A_163 : vector<256x256xi1>, vector<256x256xi32>
    %reduce_sum3A_165 = arith.constant dense<0> : vector<256xi32>
    %reduce_sum3A_166 = vector.multi_reduction <add>, %select_n3A_164, %reduce_sum3A_165 [0] : vector<256x256xi32> to vector<256xi32>
    %broadcast_in_dim3A_167 = vector.shape_cast %reduce_sum3A_166 : vector<256xi32> to vector<1x256xi32>
    %add3A_168 = arith.addi %broadcast_in_dim3A_46, %broadcast_in_dim3A_167 : vector<1x256xi32>
    %slice3A_169 = vector.extract_strided_slice %slice3A {offsets = [0, 0], sizes = [256, 1], strides = [1, 1]} : vector<2048x1xf32> to vector<256x1xf32>
    %jit3A_170 = arith.constant 0.000000e+00 : f32
    %broadcast_in_dim3A_171 = vector.shape_cast %slice3A_169 : vector<256x1xf32> to vector<256x1xf32>
    %broadcast_in_dim3A_172 = vector.broadcast %broadcast_in_dim3A_171 : vector<256x1xf32> to vector<256x256xf32>
    %broadcast_in_dim3A_173 = vector.broadcast %jit3A_170 : f32 to vector<256x256xf32>
    %select_n3A_174 = arith.select %eq3A_158, %broadcast_in_dim3A_172, %broadcast_in_dim3A_173 : vector<256x256xi1>, vector<256x256xf32>
    %reduce_sum3A_175 = arith.constant dense<0.000000e+00> : vector<256xf32>
    %reduce_sum3A_176 = vector.multi_reduction <add>, %select_n3A_174, %reduce_sum3A_175 [0] : vector<256x256xf32> to vector<256xf32>
    %broadcast_in_dim3A_177 = vector.shape_cast %reduce_sum3A_176 : vector<256xf32> to vector<1x256xf32>
    %add3A_178 = arith.addf %broadcast_in_dim3A_48, %broadcast_in_dim3A_177 : vector<1x256xf32>
    %slice3A_179 = vector.extract_strided_slice %slice3A_34 {offsets = [256, 0], sizes = [256, 1], strides = [1, 1]} : vector<2048x1xf32> to vector<256x1xf32>
    %broadcast_in_dim3A_180 = arith.constant 0 : i32
    %broadcast_in_dim3A_181 = vector.broadcast %broadcast_in_dim3A_180 : i32 to vector<256x128xi32>
    %slice3A_182 = vector.extract_strided_slice %broadcast_in_dim3A_30 {offsets = [0, 0], sizes = [1, 128], strides = [1, 1]} : vector<1x2048xf32> to vector<1x128xf32>
    %ge3A = vector.broadcast %slice3A_182 : vector<1x128xf32> to vector<256x128xf32>
    %ge3A_183 = vector.broadcast %slice3A_179 : vector<256x1xf32> to vector<256x128xf32>
    %ge3A_184 = arith.cmpf oge, %ge3A, %ge3A_183 : vector<256x128xf32>
    %convert_element_type3A_185 = arith.extui %ge3A_184 : vector<256x128xi1> to vector<256x128xi32>
    %add3A_186 = arith.addi %broadcast_in_dim3A_181, %convert_element_type3A_185 : vector<256x128xi32>
    %slice3A_187 = vector.extract_strided_slice %broadcast_in_dim3A_30 {offsets = [0, 128], sizes = [1, 128], strides = [1, 1]} : vector<1x2048xf32> to vector<1x128xf32>
    %ge3A_188 = vector.broadcast %slice3A_187 : vector<1x128xf32> to vector<256x128xf32>
    %ge3A_189 = vector.broadcast %slice3A_179 : vector<256x1xf32> to vector<256x128xf32>
    %ge3A_190 = arith.cmpf oge, %ge3A_188, %ge3A_189 : vector<256x128xf32>
    %convert_element_type3A_191 = arith.extui %ge3A_190 : vector<256x128xi1> to vector<256x128xi32>
    %add3A_192 = arith.addi %add3A_186, %convert_element_type3A_191 : vector<256x128xi32>
    %slice3A_193 = vector.extract_strided_slice %broadcast_in_dim3A_30 {offsets = [0, 256], sizes = [1, 128], strides = [1, 1]} : vector<1x2048xf32> to vector<1x128xf32>
    %gt3A_194 = vector.broadcast %slice3A_193 : vector<1x128xf32> to vector<256x128xf32>
    %gt3A_195 = vector.broadcast %slice3A_179 : vector<256x1xf32> to vector<256x128xf32>
    %gt3A_196 = arith.cmpf ogt, %gt3A_194, %gt3A_195 : vector<256x128xf32>
    %eq3A_197 = vector.broadcast %slice3A_193 : vector<1x128xf32> to vector<256x128xf32>
    %eq3A_198 = vector.broadcast %slice3A_179 : vector<256x1xf32> to vector<256x128xf32>
    %eq3A_199 = arith.cmpf oeq, %eq3A_197, %eq3A_198 : vector<256x128xf32>
    %and3A_200 = arith.andi %eq3A_199, %lt3A : vector<256x128xi1>
    %or3A_201 = arith.ori %gt3A_196, %and3A_200 : vector<256x128xi1>
    %convert_element_type3A_202 = arith.extui %or3A_201 : vector<256x128xi1> to vector<256x128xi32>
    %add3A_203 = arith.addi %add3A_192, %convert_element_type3A_202 : vector<256x128xi32>
    %slice3A_204 = vector.extract_strided_slice %broadcast_in_dim3A_30 {offsets = [0, 384], sizes = [1, 128], strides = [1, 1]} : vector<1x2048xf32> to vector<1x128xf32>
    %gt3A_205 = vector.broadcast %slice3A_204 : vector<1x128xf32> to vector<256x128xf32>
    %gt3A_206 = vector.broadcast %slice3A_179 : vector<256x1xf32> to vector<256x128xf32>
    %gt3A_207 = arith.cmpf ogt, %gt3A_205, %gt3A_206 : vector<256x128xf32>
    %eq3A_208 = vector.broadcast %slice3A_204 : vector<1x128xf32> to vector<256x128xf32>
    %eq3A_209 = vector.broadcast %slice3A_179 : vector<256x1xf32> to vector<256x128xf32>
    %eq3A_210 = arith.cmpf oeq, %eq3A_208, %eq3A_209 : vector<256x128xf32>
    %and3A_211 = arith.andi %eq3A_210, %lt3A_42 : vector<256x128xi1>
    %or3A_212 = arith.ori %gt3A_207, %and3A_211 : vector<256x128xi1>
    %convert_element_type3A_213 = arith.extui %or3A_212 : vector<256x128xi1> to vector<256x128xi32>
    %add3A_214 = arith.addi %add3A_203, %convert_element_type3A_213 : vector<256x128xi32>
    %slice3A_215 = vector.extract_strided_slice %broadcast_in_dim3A_30 {offsets = [0, 512], sizes = [1, 128], strides = [1, 1]} : vector<1x2048xf32> to vector<1x128xf32>
    %gt3A_216 = vector.broadcast %slice3A_215 : vector<1x128xf32> to vector<256x128xf32>
    %gt3A_217 = vector.broadcast %slice3A_179 : vector<256x1xf32> to vector<256x128xf32>
    %gt3A_218 = arith.cmpf ogt, %gt3A_216, %gt3A_217 : vector<256x128xf32>
    %convert_element_type3A_219 = arith.extui %gt3A_218 : vector<256x128xi1> to vector<256x128xi32>
    %add3A_220 = arith.addi %add3A_214, %convert_element_type3A_219 : vector<256x128xi32>
    %slice3A_221 = vector.extract_strided_slice %broadcast_in_dim3A_30 {offsets = [0, 640], sizes = [1, 128], strides = [1, 1]} : vector<1x2048xf32> to vector<1x128xf32>
    %gt3A_222 = vector.broadcast %slice3A_221 : vector<1x128xf32> to vector<256x128xf32>
    %gt3A_223 = vector.broadcast %slice3A_179 : vector<256x1xf32> to vector<256x128xf32>
    %gt3A_224 = arith.cmpf ogt, %gt3A_222, %gt3A_223 : vector<256x128xf32>
    %convert_element_type3A_225 = arith.extui %gt3A_224 : vector<256x128xi1> to vector<256x128xi32>
    %add3A_226 = arith.addi %add3A_220, %convert_element_type3A_225 : vector<256x128xi32>
    %slice3A_227 = vector.extract_strided_slice %broadcast_in_dim3A_30 {offsets = [0, 768], sizes = [1, 128], strides = [1, 1]} : vector<1x2048xf32> to vector<1x128xf32>
    %gt3A_228 = vector.broadcast %slice3A_227 : vector<1x128xf32> to vector<256x128xf32>
    %gt3A_229 = vector.broadcast %slice3A_179 : vector<256x1xf32> to vector<256x128xf32>
    %gt3A_230 = arith.cmpf ogt, %gt3A_228, %gt3A_229 : vector<256x128xf32>
    %convert_element_type3A_231 = arith.extui %gt3A_230 : vector<256x128xi1> to vector<256x128xi32>
    %add3A_232 = arith.addi %add3A_226, %convert_element_type3A_231 : vector<256x128xi32>
    %slice3A_233 = vector.extract_strided_slice %broadcast_in_dim3A_30 {offsets = [0, 896], sizes = [1, 128], strides = [1, 1]} : vector<1x2048xf32> to vector<1x128xf32>
    %gt3A_234 = vector.broadcast %slice3A_233 : vector<1x128xf32> to vector<256x128xf32>
    %gt3A_235 = vector.broadcast %slice3A_179 : vector<256x1xf32> to vector<256x128xf32>
    %gt3A_236 = arith.cmpf ogt, %gt3A_234, %gt3A_235 : vector<256x128xf32>
    %convert_element_type3A_237 = arith.extui %gt3A_236 : vector<256x128xi1> to vector<256x128xi32>
    %add3A_238 = arith.addi %add3A_232, %convert_element_type3A_237 : vector<256x128xi32>
    %slice3A_239 = vector.extract_strided_slice %broadcast_in_dim3A_30 {offsets = [0, 1024], sizes = [1, 128], strides = [1, 1]} : vector<1x2048xf32> to vector<1x128xf32>
    %gt3A_240 = vector.broadcast %slice3A_239 : vector<1x128xf32> to vector<256x128xf32>
    %gt3A_241 = vector.broadcast %slice3A_179 : vector<256x1xf32> to vector<256x128xf32>
    %gt3A_242 = arith.cmpf ogt, %gt3A_240, %gt3A_241 : vector<256x128xf32>
    %convert_element_type3A_243 = arith.extui %gt3A_242 : vector<256x128xi1> to vector<256x128xi32>
    %add3A_244 = arith.addi %add3A_238, %convert_element_type3A_243 : vector<256x128xi32>
    %slice3A_245 = vector.extract_strided_slice %broadcast_in_dim3A_30 {offsets = [0, 1152], sizes = [1, 128], strides = [1, 1]} : vector<1x2048xf32> to vector<1x128xf32>
    %gt3A_246 = vector.broadcast %slice3A_245 : vector<1x128xf32> to vector<256x128xf32>
    %gt3A_247 = vector.broadcast %slice3A_179 : vector<256x1xf32> to vector<256x128xf32>
    %gt3A_248 = arith.cmpf ogt, %gt3A_246, %gt3A_247 : vector<256x128xf32>
    %convert_element_type3A_249 = arith.extui %gt3A_248 : vector<256x128xi1> to vector<256x128xi32>
    %add3A_250 = arith.addi %add3A_244, %convert_element_type3A_249 : vector<256x128xi32>
    %slice3A_251 = vector.extract_strided_slice %broadcast_in_dim3A_30 {offsets = [0, 1280], sizes = [1, 128], strides = [1, 1]} : vector<1x2048xf32> to vector<1x128xf32>
    %gt3A_252 = vector.broadcast %slice3A_251 : vector<1x128xf32> to vector<256x128xf32>
    %gt3A_253 = vector.broadcast %slice3A_179 : vector<256x1xf32> to vector<256x128xf32>
    %gt3A_254 = arith.cmpf ogt, %gt3A_252, %gt3A_253 : vector<256x128xf32>
    %convert_element_type3A_255 = arith.extui %gt3A_254 : vector<256x128xi1> to vector<256x128xi32>
    %add3A_256 = arith.addi %add3A_250, %convert_element_type3A_255 : vector<256x128xi32>
    %slice3A_257 = vector.extract_strided_slice %broadcast_in_dim3A_30 {offsets = [0, 1408], sizes = [1, 128], strides = [1, 1]} : vector<1x2048xf32> to vector<1x128xf32>
    %gt3A_258 = vector.broadcast %slice3A_257 : vector<1x128xf32> to vector<256x128xf32>
    %gt3A_259 = vector.broadcast %slice3A_179 : vector<256x1xf32> to vector<256x128xf32>
    %gt3A_260 = arith.cmpf ogt, %gt3A_258, %gt3A_259 : vector<256x128xf32>
    %convert_element_type3A_261 = arith.extui %gt3A_260 : vector<256x128xi1> to vector<256x128xi32>
    %add3A_262 = arith.addi %add3A_256, %convert_element_type3A_261 : vector<256x128xi32>
    %slice3A_263 = vector.extract_strided_slice %broadcast_in_dim3A_30 {offsets = [0, 1536], sizes = [1, 128], strides = [1, 1]} : vector<1x2048xf32> to vector<1x128xf32>
    %gt3A_264 = vector.broadcast %slice3A_263 : vector<1x128xf32> to vector<256x128xf32>
    %gt3A_265 = vector.broadcast %slice3A_179 : vector<256x1xf32> to vector<256x128xf32>
    %gt3A_266 = arith.cmpf ogt, %gt3A_264, %gt3A_265 : vector<256x128xf32>
    %convert_element_type3A_267 = arith.extui %gt3A_266 : vector<256x128xi1> to vector<256x128xi32>
    %add3A_268 = arith.addi %add3A_262, %convert_element_type3A_267 : vector<256x128xi32>
    %slice3A_269 = vector.extract_strided_slice %broadcast_in_dim3A_30 {offsets = [0, 1664], sizes = [1, 128], strides = [1, 1]} : vector<1x2048xf32> to vector<1x128xf32>
    %gt3A_270 = vector.broadcast %slice3A_269 : vector<1x128xf32> to vector<256x128xf32>
    %gt3A_271 = vector.broadcast %slice3A_179 : vector<256x1xf32> to vector<256x128xf32>
    %gt3A_272 = arith.cmpf ogt, %gt3A_270, %gt3A_271 : vector<256x128xf32>
    %convert_element_type3A_273 = arith.extui %gt3A_272 : vector<256x128xi1> to vector<256x128xi32>
    %add3A_274 = arith.addi %add3A_268, %convert_element_type3A_273 : vector<256x128xi32>
    %slice3A_275 = vector.extract_strided_slice %broadcast_in_dim3A_30 {offsets = [0, 1792], sizes = [1, 128], strides = [1, 1]} : vector<1x2048xf32> to vector<1x128xf32>
    %gt3A_276 = vector.broadcast %slice3A_275 : vector<1x128xf32> to vector<256x128xf32>
    %gt3A_277 = vector.broadcast %slice3A_179 : vector<256x1xf32> to vector<256x128xf32>
    %gt3A_278 = arith.cmpf ogt, %gt3A_276, %gt3A_277 : vector<256x128xf32>
    %convert_element_type3A_279 = arith.extui %gt3A_278 : vector<256x128xi1> to vector<256x128xi32>
    %add3A_280 = arith.addi %add3A_274, %convert_element_type3A_279 : vector<256x128xi32>
    %slice3A_281 = vector.extract_strided_slice %broadcast_in_dim3A_30 {offsets = [0, 1920], sizes = [1, 128], strides = [1, 1]} : vector<1x2048xf32> to vector<1x128xf32>
    %gt3A_282 = vector.broadcast %slice3A_281 : vector<1x128xf32> to vector<256x128xf32>
    %gt3A_283 = vector.broadcast %slice3A_179 : vector<256x1xf32> to vector<256x128xf32>
    %gt3A_284 = arith.cmpf ogt, %gt3A_282, %gt3A_283 : vector<256x128xf32>
    %convert_element_type3A_285 = arith.extui %gt3A_284 : vector<256x128xi1> to vector<256x128xi32>
    %add3A_286 = arith.addi %add3A_280, %convert_element_type3A_285 : vector<256x128xi32>
    %reduce_sum3A_287 = arith.constant dense<0> : vector<256xi32>
    %reduce_sum3A_288 = vector.multi_reduction <add>, %add3A_286, %reduce_sum3A_287 [1] : vector<256x128xi32> to vector<256xi32>
    %broadcast_in_dim3A_289 = vector.shape_cast %reduce_sum3A_288 : vector<256xi32> to vector<256x1xi32>
    %eq3A_290 = vector.broadcast %broadcast_in_dim3A_289 : vector<256x1xi32> to vector<256x256xi32>
    %eq3A_291 = arith.cmpi eq, %eq3A_290, %iota3A_43 : vector<256x256xi32>
    %add3A_292 = arith.constant 256 : i32
    %add3A_293 = vector.broadcast %add3A_292 : i32 to vector<256x256xi32>
    %add3A_294 = arith.addi %add3A_293, %iota3A_44 : vector<256x256xi32>
    %jit3A_295 = arith.constant 0 : i32
    %broadcast_in_dim3A_296 = vector.broadcast %jit3A_295 : i32 to vector<256x256xi32>
    %select_n3A_297 = arith.select %eq3A_291, %add3A_294, %broadcast_in_dim3A_296 : vector<256x256xi1>, vector<256x256xi32>
    %reduce_sum3A_298 = arith.constant dense<0> : vector<256xi32>
    %reduce_sum3A_299 = vector.multi_reduction <add>, %select_n3A_297, %reduce_sum3A_298 [0] : vector<256x256xi32> to vector<256xi32>
    %broadcast_in_dim3A_300 = vector.shape_cast %reduce_sum3A_299 : vector<256xi32> to vector<1x256xi32>
    %add3A_301 = arith.addi %add3A_168, %broadcast_in_dim3A_300 : vector<1x256xi32>
    %slice3A_302 = vector.extract_strided_slice %slice3A {offsets = [256, 0], sizes = [256, 1], strides = [1, 1]} : vector<2048x1xf32> to vector<256x1xf32>
    %jit3A_303 = arith.constant 0.000000e+00 : f32
    %broadcast_in_dim3A_304 = vector.shape_cast %slice3A_302 : vector<256x1xf32> to vector<256x1xf32>
    %broadcast_in_dim3A_305 = vector.broadcast %broadcast_in_dim3A_304 : vector<256x1xf32> to vector<256x256xf32>
    %broadcast_in_dim3A_306 = vector.broadcast %jit3A_303 : f32 to vector<256x256xf32>
    %select_n3A_307 = arith.select %eq3A_291, %broadcast_in_dim3A_305, %broadcast_in_dim3A_306 : vector<256x256xi1>, vector<256x256xf32>
    %reduce_sum3A_308 = arith.constant dense<0.000000e+00> : vector<256xf32>
    %reduce_sum3A_309 = vector.multi_reduction <add>, %select_n3A_307, %reduce_sum3A_308 [0] : vector<256x256xf32> to vector<256xf32>
    %broadcast_in_dim3A_310 = vector.shape_cast %reduce_sum3A_309 : vector<256xf32> to vector<1x256xf32>
    %add3A_311 = arith.addf %add3A_178, %broadcast_in_dim3A_310 : vector<1x256xf32>
    %slice3A_312 = vector.extract_strided_slice %slice3A_34 {offsets = [512, 0], sizes = [256, 1], strides = [1, 1]} : vector<2048x1xf32> to vector<256x1xf32>
    %broadcast_in_dim3A_313 = arith.constant 0 : i32
    %broadcast_in_dim3A_314 = vector.broadcast %broadcast_in_dim3A_313 : i32 to vector<256x128xi32>
    %slice3A_315 = vector.extract_strided_slice %broadcast_in_dim3A_30 {offsets = [0, 0], sizes = [1, 128], strides = [1, 1]} : vector<1x2048xf32> to vector<1x128xf32>
    %ge3A_316 = vector.broadcast %slice3A_315 : vector<1x128xf32> to vector<256x128xf32>
    %ge3A_317 = vector.broadcast %slice3A_312 : vector<256x1xf32> to vector<256x128xf32>
    %ge3A_318 = arith.cmpf oge, %ge3A_316, %ge3A_317 : vector<256x128xf32>
    %convert_element_type3A_319 = arith.extui %ge3A_318 : vector<256x128xi1> to vector<256x128xi32>
    %add3A_320 = arith.addi %broadcast_in_dim3A_314, %convert_element_type3A_319 : vector<256x128xi32>
    %slice3A_321 = vector.extract_strided_slice %broadcast_in_dim3A_30 {offsets = [0, 128], sizes = [1, 128], strides = [1, 1]} : vector<1x2048xf32> to vector<1x128xf32>
    %ge3A_322 = vector.broadcast %slice3A_321 : vector<1x128xf32> to vector<256x128xf32>
    %ge3A_323 = vector.broadcast %slice3A_312 : vector<256x1xf32> to vector<256x128xf32>
    %ge3A_324 = arith.cmpf oge, %ge3A_322, %ge3A_323 : vector<256x128xf32>
    %convert_element_type3A_325 = arith.extui %ge3A_324 : vector<256x128xi1> to vector<256x128xi32>
    %add3A_326 = arith.addi %add3A_320, %convert_element_type3A_325 : vector<256x128xi32>
    %slice3A_327 = vector.extract_strided_slice %broadcast_in_dim3A_30 {offsets = [0, 256], sizes = [1, 128], strides = [1, 1]} : vector<1x2048xf32> to vector<1x128xf32>
    %ge3A_328 = vector.broadcast %slice3A_327 : vector<1x128xf32> to vector<256x128xf32>
    %ge3A_329 = vector.broadcast %slice3A_312 : vector<256x1xf32> to vector<256x128xf32>
    %ge3A_330 = arith.cmpf oge, %ge3A_328, %ge3A_329 : vector<256x128xf32>
    %convert_element_type3A_331 = arith.extui %ge3A_330 : vector<256x128xi1> to vector<256x128xi32>
    %add3A_332 = arith.addi %add3A_326, %convert_element_type3A_331 : vector<256x128xi32>
    %slice3A_333 = vector.extract_strided_slice %broadcast_in_dim3A_30 {offsets = [0, 384], sizes = [1, 128], strides = [1, 1]} : vector<1x2048xf32> to vector<1x128xf32>
    %ge3A_334 = vector.broadcast %slice3A_333 : vector<1x128xf32> to vector<256x128xf32>
    %ge3A_335 = vector.broadcast %slice3A_312 : vector<256x1xf32> to vector<256x128xf32>
    %ge3A_336 = arith.cmpf oge, %ge3A_334, %ge3A_335 : vector<256x128xf32>
    %convert_element_type3A_337 = arith.extui %ge3A_336 : vector<256x128xi1> to vector<256x128xi32>
    %add3A_338 = arith.addi %add3A_332, %convert_element_type3A_337 : vector<256x128xi32>
    %slice3A_339 = vector.extract_strided_slice %broadcast_in_dim3A_30 {offsets = [0, 512], sizes = [1, 128], strides = [1, 1]} : vector<1x2048xf32> to vector<1x128xf32>
    %gt3A_340 = vector.broadcast %slice3A_339 : vector<1x128xf32> to vector<256x128xf32>
    %gt3A_341 = vector.broadcast %slice3A_312 : vector<256x1xf32> to vector<256x128xf32>
    %gt3A_342 = arith.cmpf ogt, %gt3A_340, %gt3A_341 : vector<256x128xf32>
    %eq3A_343 = vector.broadcast %slice3A_339 : vector<1x128xf32> to vector<256x128xf32>
    %eq3A_344 = vector.broadcast %slice3A_312 : vector<256x1xf32> to vector<256x128xf32>
    %eq3A_345 = arith.cmpf oeq, %eq3A_343, %eq3A_344 : vector<256x128xf32>
    %and3A_346 = arith.andi %eq3A_345, %lt3A : vector<256x128xi1>
    %or3A_347 = arith.ori %gt3A_342, %and3A_346 : vector<256x128xi1>
    %convert_element_type3A_348 = arith.extui %or3A_347 : vector<256x128xi1> to vector<256x128xi32>
    %add3A_349 = arith.addi %add3A_338, %convert_element_type3A_348 : vector<256x128xi32>
    %slice3A_350 = vector.extract_strided_slice %broadcast_in_dim3A_30 {offsets = [0, 640], sizes = [1, 128], strides = [1, 1]} : vector<1x2048xf32> to vector<1x128xf32>
    %gt3A_351 = vector.broadcast %slice3A_350 : vector<1x128xf32> to vector<256x128xf32>
    %gt3A_352 = vector.broadcast %slice3A_312 : vector<256x1xf32> to vector<256x128xf32>
    %gt3A_353 = arith.cmpf ogt, %gt3A_351, %gt3A_352 : vector<256x128xf32>
    %eq3A_354 = vector.broadcast %slice3A_350 : vector<1x128xf32> to vector<256x128xf32>
    %eq3A_355 = vector.broadcast %slice3A_312 : vector<256x1xf32> to vector<256x128xf32>
    %eq3A_356 = arith.cmpf oeq, %eq3A_354, %eq3A_355 : vector<256x128xf32>
    %and3A_357 = arith.andi %eq3A_356, %lt3A_42 : vector<256x128xi1>
    %or3A_358 = arith.ori %gt3A_353, %and3A_357 : vector<256x128xi1>
    %convert_element_type3A_359 = arith.extui %or3A_358 : vector<256x128xi1> to vector<256x128xi32>
    %add3A_360 = arith.addi %add3A_349, %convert_element_type3A_359 : vector<256x128xi32>
    %slice3A_361 = vector.extract_strided_slice %broadcast_in_dim3A_30 {offsets = [0, 768], sizes = [1, 128], strides = [1, 1]} : vector<1x2048xf32> to vector<1x128xf32>
    %gt3A_362 = vector.broadcast %slice3A_361 : vector<1x128xf32> to vector<256x128xf32>
    %gt3A_363 = vector.broadcast %slice3A_312 : vector<256x1xf32> to vector<256x128xf32>
    %gt3A_364 = arith.cmpf ogt, %gt3A_362, %gt3A_363 : vector<256x128xf32>
    %convert_element_type3A_365 = arith.extui %gt3A_364 : vector<256x128xi1> to vector<256x128xi32>
    %add3A_366 = arith.addi %add3A_360, %convert_element_type3A_365 : vector<256x128xi32>
    %slice3A_367 = vector.extract_strided_slice %broadcast_in_dim3A_30 {offsets = [0, 896], sizes = [1, 128], strides = [1, 1]} : vector<1x2048xf32> to vector<1x128xf32>
    %gt3A_368 = vector.broadcast %slice3A_367 : vector<1x128xf32> to vector<256x128xf32>
    %gt3A_369 = vector.broadcast %slice3A_312 : vector<256x1xf32> to vector<256x128xf32>
    %gt3A_370 = arith.cmpf ogt, %gt3A_368, %gt3A_369 : vector<256x128xf32>
    %convert_element_type3A_371 = arith.extui %gt3A_370 : vector<256x128xi1> to vector<256x128xi32>
    %add3A_372 = arith.addi %add3A_366, %convert_element_type3A_371 : vector<256x128xi32>
    %slice3A_373 = vector.extract_strided_slice %broadcast_in_dim3A_30 {offsets = [0, 1024], sizes = [1, 128], strides = [1, 1]} : vector<1x2048xf32> to vector<1x128xf32>
    %gt3A_374 = vector.broadcast %slice3A_373 : vector<1x128xf32> to vector<256x128xf32>
    %gt3A_375 = vector.broadcast %slice3A_312 : vector<256x1xf32> to vector<256x128xf32>
    %gt3A_376 = arith.cmpf ogt, %gt3A_374, %gt3A_375 : vector<256x128xf32>
    %convert_element_type3A_377 = arith.extui %gt3A_376 : vector<256x128xi1> to vector<256x128xi32>
    %add3A_378 = arith.addi %add3A_372, %convert_element_type3A_377 : vector<256x128xi32>
    %slice3A_379 = vector.extract_strided_slice %broadcast_in_dim3A_30 {offsets = [0, 1152], sizes = [1, 128], strides = [1, 1]} : vector<1x2048xf32> to vector<1x128xf32>
    %gt3A_380 = vector.broadcast %slice3A_379 : vector<1x128xf32> to vector<256x128xf32>
    %gt3A_381 = vector.broadcast %slice3A_312 : vector<256x1xf32> to vector<256x128xf32>
    %gt3A_382 = arith.cmpf ogt, %gt3A_380, %gt3A_381 : vector<256x128xf32>
    %convert_element_type3A_383 = arith.extui %gt3A_382 : vector<256x128xi1> to vector<256x128xi32>
    %add3A_384 = arith.addi %add3A_378, %convert_element_type3A_383 : vector<256x128xi32>
    %slice3A_385 = vector.extract_strided_slice %broadcast_in_dim3A_30 {offsets = [0, 1280], sizes = [1, 128], strides = [1, 1]} : vector<1x2048xf32> to vector<1x128xf32>
    %gt3A_386 = vector.broadcast %slice3A_385 : vector<1x128xf32> to vector<256x128xf32>
    %gt3A_387 = vector.broadcast %slice3A_312 : vector<256x1xf32> to vector<256x128xf32>
    %gt3A_388 = arith.cmpf ogt, %gt3A_386, %gt3A_387 : vector<256x128xf32>
    %convert_element_type3A_389 = arith.extui %gt3A_388 : vector<256x128xi1> to vector<256x128xi32>
    %add3A_390 = arith.addi %add3A_384, %convert_element_type3A_389 : vector<256x128xi32>
    %slice3A_391 = vector.extract_strided_slice %broadcast_in_dim3A_30 {offsets = [0, 1408], sizes = [1, 128], strides = [1, 1]} : vector<1x2048xf32> to vector<1x128xf32>
    %gt3A_392 = vector.broadcast %slice3A_391 : vector<1x128xf32> to vector<256x128xf32>
    %gt3A_393 = vector.broadcast %slice3A_312 : vector<256x1xf32> to vector<256x128xf32>
    %gt3A_394 = arith.cmpf ogt, %gt3A_392, %gt3A_393 : vector<256x128xf32>
    %convert_element_type3A_395 = arith.extui %gt3A_394 : vector<256x128xi1> to vector<256x128xi32>
    %add3A_396 = arith.addi %add3A_390, %convert_element_type3A_395 : vector<256x128xi32>
    %slice3A_397 = vector.extract_strided_slice %broadcast_in_dim3A_30 {offsets = [0, 1536], sizes = [1, 128], strides = [1, 1]} : vector<1x2048xf32> to vector<1x128xf32>
    %gt3A_398 = vector.broadcast %slice3A_397 : vector<1x128xf32> to vector<256x128xf32>
    %gt3A_399 = vector.broadcast %slice3A_312 : vector<256x1xf32> to vector<256x128xf32>
    %gt3A_400 = arith.cmpf ogt, %gt3A_398, %gt3A_399 : vector<256x128xf32>
    %convert_element_type3A_401 = arith.extui %gt3A_400 : vector<256x128xi1> to vector<256x128xi32>
    %add3A_402 = arith.addi %add3A_396, %convert_element_type3A_401 : vector<256x128xi32>
    %slice3A_403 = vector.extract_strided_slice %broadcast_in_dim3A_30 {offsets = [0, 1664], sizes = [1, 128], strides = [1, 1]} : vector<1x2048xf32> to vector<1x128xf32>
    %gt3A_404 = vector.broadcast %slice3A_403 : vector<1x128xf32> to vector<256x128xf32>
    %gt3A_405 = vector.broadcast %slice3A_312 : vector<256x1xf32> to vector<256x128xf32>
    %gt3A_406 = arith.cmpf ogt, %gt3A_404, %gt3A_405 : vector<256x128xf32>
    %convert_element_type3A_407 = arith.extui %gt3A_406 : vector<256x128xi1> to vector<256x128xi32>
    %add3A_408 = arith.addi %add3A_402, %convert_element_type3A_407 : vector<256x128xi32>
    %slice3A_409 = vector.extract_strided_slice %broadcast_in_dim3A_30 {offsets = [0, 1792], sizes = [1, 128], strides = [1, 1]} : vector<1x2048xf32> to vector<1x128xf32>
    %gt3A_410 = vector.broadcast %slice3A_409 : vector<1x128xf32> to vector<256x128xf32>
    %gt3A_411 = vector.broadcast %slice3A_312 : vector<256x1xf32> to vector<256x128xf32>
    %gt3A_412 = arith.cmpf ogt, %gt3A_410, %gt3A_411 : vector<256x128xf32>
    %convert_element_type3A_413 = arith.extui %gt3A_412 : vector<256x128xi1> to vector<256x128xi32>
    %add3A_414 = arith.addi %add3A_408, %convert_element_type3A_413 : vector<256x128xi32>
    %slice3A_415 = vector.extract_strided_slice %broadcast_in_dim3A_30 {offsets = [0, 1920], sizes = [1, 128], strides = [1, 1]} : vector<1x2048xf32> to vector<1x128xf32>
    %gt3A_416 = vector.broadcast %slice3A_415 : vector<1x128xf32> to vector<256x128xf32>
    %gt3A_417 = vector.broadcast %slice3A_312 : vector<256x1xf32> to vector<256x128xf32>
    %gt3A_418 = arith.cmpf ogt, %gt3A_416, %gt3A_417 : vector<256x128xf32>
    %convert_element_type3A_419 = arith.extui %gt3A_418 : vector<256x128xi1> to vector<256x128xi32>
    %add3A_420 = arith.addi %add3A_414, %convert_element_type3A_419 : vector<256x128xi32>
    %reduce_sum3A_421 = arith.constant dense<0> : vector<256xi32>
    %reduce_sum3A_422 = vector.multi_reduction <add>, %add3A_420, %reduce_sum3A_421 [1] : vector<256x128xi32> to vector<256xi32>
    %broadcast_in_dim3A_423 = vector.shape_cast %reduce_sum3A_422 : vector<256xi32> to vector<256x1xi32>
    %eq3A_424 = vector.broadcast %broadcast_in_dim3A_423 : vector<256x1xi32> to vector<256x256xi32>
    %eq3A_425 = arith.cmpi eq, %eq3A_424, %iota3A_43 : vector<256x256xi32>
    %add3A_426 = arith.constant 512 : i32
    %add3A_427 = vector.broadcast %add3A_426 : i32 to vector<256x256xi32>
    %add3A_428 = arith.addi %add3A_427, %iota3A_44 : vector<256x256xi32>
    %jit3A_429 = arith.constant 0 : i32
    %broadcast_in_dim3A_430 = vector.broadcast %jit3A_429 : i32 to vector<256x256xi32>
    %select_n3A_431 = arith.select %eq3A_425, %add3A_428, %broadcast_in_dim3A_430 : vector<256x256xi1>, vector<256x256xi32>
    %reduce_sum3A_432 = arith.constant dense<0> : vector<256xi32>
    %reduce_sum3A_433 = vector.multi_reduction <add>, %select_n3A_431, %reduce_sum3A_432 [0] : vector<256x256xi32> to vector<256xi32>
    %broadcast_in_dim3A_434 = vector.shape_cast %reduce_sum3A_433 : vector<256xi32> to vector<1x256xi32>
    %add3A_435 = arith.addi %add3A_301, %broadcast_in_dim3A_434 : vector<1x256xi32>
    %slice3A_436 = vector.extract_strided_slice %slice3A {offsets = [512, 0], sizes = [256, 1], strides = [1, 1]} : vector<2048x1xf32> to vector<256x1xf32>
    %jit3A_437 = arith.constant 0.000000e+00 : f32
    %broadcast_in_dim3A_438 = vector.shape_cast %slice3A_436 : vector<256x1xf32> to vector<256x1xf32>
    %broadcast_in_dim3A_439 = vector.broadcast %broadcast_in_dim3A_438 : vector<256x1xf32> to vector<256x256xf32>
    %broadcast_in_dim3A_440 = vector.broadcast %jit3A_437 : f32 to vector<256x256xf32>
    %select_n3A_441 = arith.select %eq3A_425, %broadcast_in_dim3A_439, %broadcast_in_dim3A_440 : vector<256x256xi1>, vector<256x256xf32>
    %reduce_sum3A_442 = arith.constant dense<0.000000e+00> : vector<256xf32>
    %reduce_sum3A_443 = vector.multi_reduction <add>, %select_n3A_441, %reduce_sum3A_442 [0] : vector<256x256xf32> to vector<256xf32>
    %broadcast_in_dim3A_444 = vector.shape_cast %reduce_sum3A_443 : vector<256xf32> to vector<1x256xf32>
    %add3A_445 = arith.addf %add3A_311, %broadcast_in_dim3A_444 : vector<1x256xf32>
    %slice3A_446 = vector.extract_strided_slice %slice3A_34 {offsets = [768, 0], sizes = [256, 1], strides = [1, 1]} : vector<2048x1xf32> to vector<256x1xf32>
    %broadcast_in_dim3A_447 = arith.constant 0 : i32
    %broadcast_in_dim3A_448 = vector.broadcast %broadcast_in_dim3A_447 : i32 to vector<256x128xi32>
    %slice3A_449 = vector.extract_strided_slice %broadcast_in_dim3A_30 {offsets = [0, 0], sizes = [1, 128], strides = [1, 1]} : vector<1x2048xf32> to vector<1x128xf32>
    %ge3A_450 = vector.broadcast %slice3A_449 : vector<1x128xf32> to vector<256x128xf32>
    %ge3A_451 = vector.broadcast %slice3A_446 : vector<256x1xf32> to vector<256x128xf32>
    %ge3A_452 = arith.cmpf oge, %ge3A_450, %ge3A_451 : vector<256x128xf32>
    %convert_element_type3A_453 = arith.extui %ge3A_452 : vector<256x128xi1> to vector<256x128xi32>
    %add3A_454 = arith.addi %broadcast_in_dim3A_448, %convert_element_type3A_453 : vector<256x128xi32>
    %slice3A_455 = vector.extract_strided_slice %broadcast_in_dim3A_30 {offsets = [0, 128], sizes = [1, 128], strides = [1, 1]} : vector<1x2048xf32> to vector<1x128xf32>
    %ge3A_456 = vector.broadcast %slice3A_455 : vector<1x128xf32> to vector<256x128xf32>
    %ge3A_457 = vector.broadcast %slice3A_446 : vector<256x1xf32> to vector<256x128xf32>
    %ge3A_458 = arith.cmpf oge, %ge3A_456, %ge3A_457 : vector<256x128xf32>
    %convert_element_type3A_459 = arith.extui %ge3A_458 : vector<256x128xi1> to vector<256x128xi32>
    %add3A_460 = arith.addi %add3A_454, %convert_element_type3A_459 : vector<256x128xi32>
    %slice3A_461 = vector.extract_strided_slice %broadcast_in_dim3A_30 {offsets = [0, 256], sizes = [1, 128], strides = [1, 1]} : vector<1x2048xf32> to vector<1x128xf32>
    %ge3A_462 = vector.broadcast %slice3A_461 : vector<1x128xf32> to vector<256x128xf32>
    %ge3A_463 = vector.broadcast %slice3A_446 : vector<256x1xf32> to vector<256x128xf32>
    %ge3A_464 = arith.cmpf oge, %ge3A_462, %ge3A_463 : vector<256x128xf32>
    %convert_element_type3A_465 = arith.extui %ge3A_464 : vector<256x128xi1> to vector<256x128xi32>
    %add3A_466 = arith.addi %add3A_460, %convert_element_type3A_465 : vector<256x128xi32>
    %slice3A_467 = vector.extract_strided_slice %broadcast_in_dim3A_30 {offsets = [0, 384], sizes = [1, 128], strides = [1, 1]} : vector<1x2048xf32> to vector<1x128xf32>
    %ge3A_468 = vector.broadcast %slice3A_467 : vector<1x128xf32> to vector<256x128xf32>
    %ge3A_469 = vector.broadcast %slice3A_446 : vector<256x1xf32> to vector<256x128xf32>
    %ge3A_470 = arith.cmpf oge, %ge3A_468, %ge3A_469 : vector<256x128xf32>
    %convert_element_type3A_471 = arith.extui %ge3A_470 : vector<256x128xi1> to vector<256x128xi32>
    %add3A_472 = arith.addi %add3A_466, %convert_element_type3A_471 : vector<256x128xi32>
    %slice3A_473 = vector.extract_strided_slice %broadcast_in_dim3A_30 {offsets = [0, 512], sizes = [1, 128], strides = [1, 1]} : vector<1x2048xf32> to vector<1x128xf32>
    %ge3A_474 = vector.broadcast %slice3A_473 : vector<1x128xf32> to vector<256x128xf32>
    %ge3A_475 = vector.broadcast %slice3A_446 : vector<256x1xf32> to vector<256x128xf32>
    %ge3A_476 = arith.cmpf oge, %ge3A_474, %ge3A_475 : vector<256x128xf32>
    %convert_element_type3A_477 = arith.extui %ge3A_476 : vector<256x128xi1> to vector<256x128xi32>
    %add3A_478 = arith.addi %add3A_472, %convert_element_type3A_477 : vector<256x128xi32>
    %slice3A_479 = vector.extract_strided_slice %broadcast_in_dim3A_30 {offsets = [0, 640], sizes = [1, 128], strides = [1, 1]} : vector<1x2048xf32> to vector<1x128xf32>
    %ge3A_480 = vector.broadcast %slice3A_479 : vector<1x128xf32> to vector<256x128xf32>
    %ge3A_481 = vector.broadcast %slice3A_446 : vector<256x1xf32> to vector<256x128xf32>
    %ge3A_482 = arith.cmpf oge, %ge3A_480, %ge3A_481 : vector<256x128xf32>
    %convert_element_type3A_483 = arith.extui %ge3A_482 : vector<256x128xi1> to vector<256x128xi32>
    %add3A_484 = arith.addi %add3A_478, %convert_element_type3A_483 : vector<256x128xi32>
    %slice3A_485 = vector.extract_strided_slice %broadcast_in_dim3A_30 {offsets = [0, 768], sizes = [1, 128], strides = [1, 1]} : vector<1x2048xf32> to vector<1x128xf32>
    %gt3A_486 = vector.broadcast %slice3A_485 : vector<1x128xf32> to vector<256x128xf32>
    %gt3A_487 = vector.broadcast %slice3A_446 : vector<256x1xf32> to vector<256x128xf32>
    %gt3A_488 = arith.cmpf ogt, %gt3A_486, %gt3A_487 : vector<256x128xf32>
    %eq3A_489 = vector.broadcast %slice3A_485 : vector<1x128xf32> to vector<256x128xf32>
    %eq3A_490 = vector.broadcast %slice3A_446 : vector<256x1xf32> to vector<256x128xf32>
    %eq3A_491 = arith.cmpf oeq, %eq3A_489, %eq3A_490 : vector<256x128xf32>
    %and3A_492 = arith.andi %eq3A_491, %lt3A : vector<256x128xi1>
    %or3A_493 = arith.ori %gt3A_488, %and3A_492 : vector<256x128xi1>
    %convert_element_type3A_494 = arith.extui %or3A_493 : vector<256x128xi1> to vector<256x128xi32>
    %add3A_495 = arith.addi %add3A_484, %convert_element_type3A_494 : vector<256x128xi32>
    %slice3A_496 = vector.extract_strided_slice %broadcast_in_dim3A_30 {offsets = [0, 896], sizes = [1, 128], strides = [1, 1]} : vector<1x2048xf32> to vector<1x128xf32>
    %gt3A_497 = vector.broadcast %slice3A_496 : vector<1x128xf32> to vector<256x128xf32>
    %gt3A_498 = vector.broadcast %slice3A_446 : vector<256x1xf32> to vector<256x128xf32>
    %gt3A_499 = arith.cmpf ogt, %gt3A_497, %gt3A_498 : vector<256x128xf32>
    %eq3A_500 = vector.broadcast %slice3A_496 : vector<1x128xf32> to vector<256x128xf32>
    %eq3A_501 = vector.broadcast %slice3A_446 : vector<256x1xf32> to vector<256x128xf32>
    %eq3A_502 = arith.cmpf oeq, %eq3A_500, %eq3A_501 : vector<256x128xf32>
    %and3A_503 = arith.andi %eq3A_502, %lt3A_42 : vector<256x128xi1>
    %or3A_504 = arith.ori %gt3A_499, %and3A_503 : vector<256x128xi1>
    %convert_element_type3A_505 = arith.extui %or3A_504 : vector<256x128xi1> to vector<256x128xi32>
    %add3A_506 = arith.addi %add3A_495, %convert_element_type3A_505 : vector<256x128xi32>
    %slice3A_507 = vector.extract_strided_slice %broadcast_in_dim3A_30 {offsets = [0, 1024], sizes = [1, 128], strides = [1, 1]} : vector<1x2048xf32> to vector<1x128xf32>
    %gt3A_508 = vector.broadcast %slice3A_507 : vector<1x128xf32> to vector<256x128xf32>
    %gt3A_509 = vector.broadcast %slice3A_446 : vector<256x1xf32> to vector<256x128xf32>
    %gt3A_510 = arith.cmpf ogt, %gt3A_508, %gt3A_509 : vector<256x128xf32>
    %convert_element_type3A_511 = arith.extui %gt3A_510 : vector<256x128xi1> to vector<256x128xi32>
    %add3A_512 = arith.addi %add3A_506, %convert_element_type3A_511 : vector<256x128xi32>
    %slice3A_513 = vector.extract_strided_slice %broadcast_in_dim3A_30 {offsets = [0, 1152], sizes = [1, 128], strides = [1, 1]} : vector<1x2048xf32> to vector<1x128xf32>
    %gt3A_514 = vector.broadcast %slice3A_513 : vector<1x128xf32> to vector<256x128xf32>
    %gt3A_515 = vector.broadcast %slice3A_446 : vector<256x1xf32> to vector<256x128xf32>
    %gt3A_516 = arith.cmpf ogt, %gt3A_514, %gt3A_515 : vector<256x128xf32>
    %convert_element_type3A_517 = arith.extui %gt3A_516 : vector<256x128xi1> to vector<256x128xi32>
    %add3A_518 = arith.addi %add3A_512, %convert_element_type3A_517 : vector<256x128xi32>
    %slice3A_519 = vector.extract_strided_slice %broadcast_in_dim3A_30 {offsets = [0, 1280], sizes = [1, 128], strides = [1, 1]} : vector<1x2048xf32> to vector<1x128xf32>
    %gt3A_520 = vector.broadcast %slice3A_519 : vector<1x128xf32> to vector<256x128xf32>
    %gt3A_521 = vector.broadcast %slice3A_446 : vector<256x1xf32> to vector<256x128xf32>
    %gt3A_522 = arith.cmpf ogt, %gt3A_520, %gt3A_521 : vector<256x128xf32>
    %convert_element_type3A_523 = arith.extui %gt3A_522 : vector<256x128xi1> to vector<256x128xi32>
    %add3A_524 = arith.addi %add3A_518, %convert_element_type3A_523 : vector<256x128xi32>
    %slice3A_525 = vector.extract_strided_slice %broadcast_in_dim3A_30 {offsets = [0, 1408], sizes = [1, 128], strides = [1, 1]} : vector<1x2048xf32> to vector<1x128xf32>
    %gt3A_526 = vector.broadcast %slice3A_525 : vector<1x128xf32> to vector<256x128xf32>
    %gt3A_527 = vector.broadcast %slice3A_446 : vector<256x1xf32> to vector<256x128xf32>
    %gt3A_528 = arith.cmpf ogt, %gt3A_526, %gt3A_527 : vector<256x128xf32>
    %convert_element_type3A_529 = arith.extui %gt3A_528 : vector<256x128xi1> to vector<256x128xi32>
    %add3A_530 = arith.addi %add3A_524, %convert_element_type3A_529 : vector<256x128xi32>
    %slice3A_531 = vector.extract_strided_slice %broadcast_in_dim3A_30 {offsets = [0, 1536], sizes = [1, 128], strides = [1, 1]} : vector<1x2048xf32> to vector<1x128xf32>
    %gt3A_532 = vector.broadcast %slice3A_531 : vector<1x128xf32> to vector<256x128xf32>
    %gt3A_533 = vector.broadcast %slice3A_446 : vector<256x1xf32> to vector<256x128xf32>
    %gt3A_534 = arith.cmpf ogt, %gt3A_532, %gt3A_533 : vector<256x128xf32>
    %convert_element_type3A_535 = arith.extui %gt3A_534 : vector<256x128xi1> to vector<256x128xi32>
    %add3A_536 = arith.addi %add3A_530, %convert_element_type3A_535 : vector<256x128xi32>
    %slice3A_537 = vector.extract_strided_slice %broadcast_in_dim3A_30 {offsets = [0, 1664], sizes = [1, 128], strides = [1, 1]} : vector<1x2048xf32> to vector<1x128xf32>
    %gt3A_538 = vector.broadcast %slice3A_537 : vector<1x128xf32> to vector<256x128xf32>
    %gt3A_539 = vector.broadcast %slice3A_446 : vector<256x1xf32> to vector<256x128xf32>
    %gt3A_540 = arith.cmpf ogt, %gt3A_538, %gt3A_539 : vector<256x128xf32>
    %convert_element_type3A_541 = arith.extui %gt3A_540 : vector<256x128xi1> to vector<256x128xi32>
    %add3A_542 = arith.addi %add3A_536, %convert_element_type3A_541 : vector<256x128xi32>
    %slice3A_543 = vector.extract_strided_slice %broadcast_in_dim3A_30 {offsets = [0, 1792], sizes = [1, 128], strides = [1, 1]} : vector<1x2048xf32> to vector<1x128xf32>
    %gt3A_544 = vector.broadcast %slice3A_543 : vector<1x128xf32> to vector<256x128xf32>
    %gt3A_545 = vector.broadcast %slice3A_446 : vector<256x1xf32> to vector<256x128xf32>
    %gt3A_546 = arith.cmpf ogt, %gt3A_544, %gt3A_545 : vector<256x128xf32>
    %convert_element_type3A_547 = arith.extui %gt3A_546 : vector<256x128xi1> to vector<256x128xi32>
    %add3A_548 = arith.addi %add3A_542, %convert_element_type3A_547 : vector<256x128xi32>
    %slice3A_549 = vector.extract_strided_slice %broadcast_in_dim3A_30 {offsets = [0, 1920], sizes = [1, 128], strides = [1, 1]} : vector<1x2048xf32> to vector<1x128xf32>
    %gt3A_550 = vector.broadcast %slice3A_549 : vector<1x128xf32> to vector<256x128xf32>
    %gt3A_551 = vector.broadcast %slice3A_446 : vector<256x1xf32> to vector<256x128xf32>
    %gt3A_552 = arith.cmpf ogt, %gt3A_550, %gt3A_551 : vector<256x128xf32>
    %convert_element_type3A_553 = arith.extui %gt3A_552 : vector<256x128xi1> to vector<256x128xi32>
    %add3A_554 = arith.addi %add3A_548, %convert_element_type3A_553 : vector<256x128xi32>
    %reduce_sum3A_555 = arith.constant dense<0> : vector<256xi32>
    %reduce_sum3A_556 = vector.multi_reduction <add>, %add3A_554, %reduce_sum3A_555 [1] : vector<256x128xi32> to vector<256xi32>
    %broadcast_in_dim3A_557 = vector.shape_cast %reduce_sum3A_556 : vector<256xi32> to vector<256x1xi32>
    %eq3A_558 = vector.broadcast %broadcast_in_dim3A_557 : vector<256x1xi32> to vector<256x256xi32>
    %eq3A_559 = arith.cmpi eq, %eq3A_558, %iota3A_43 : vector<256x256xi32>
    %add3A_560 = arith.constant 768 : i32
    %add3A_561 = vector.broadcast %add3A_560 : i32 to vector<256x256xi32>
    %add3A_562 = arith.addi %add3A_561, %iota3A_44 : vector<256x256xi32>
    %jit3A_563 = arith.constant 0 : i32
    %broadcast_in_dim3A_564 = vector.broadcast %jit3A_563 : i32 to vector<256x256xi32>
    %select_n3A_565 = arith.select %eq3A_559, %add3A_562, %broadcast_in_dim3A_564 : vector<256x256xi1>, vector<256x256xi32>
    %reduce_sum3A_566 = arith.constant dense<0> : vector<256xi32>
    %reduce_sum3A_567 = vector.multi_reduction <add>, %select_n3A_565, %reduce_sum3A_566 [0] : vector<256x256xi32> to vector<256xi32>
    %broadcast_in_dim3A_568 = vector.shape_cast %reduce_sum3A_567 : vector<256xi32> to vector<1x256xi32>
    %add3A_569 = arith.addi %add3A_435, %broadcast_in_dim3A_568 : vector<1x256xi32>
    %slice3A_570 = vector.extract_strided_slice %slice3A {offsets = [768, 0], sizes = [256, 1], strides = [1, 1]} : vector<2048x1xf32> to vector<256x1xf32>
    %jit3A_571 = arith.constant 0.000000e+00 : f32
    %broadcast_in_dim3A_572 = vector.shape_cast %slice3A_570 : vector<256x1xf32> to vector<256x1xf32>
    %broadcast_in_dim3A_573 = vector.broadcast %broadcast_in_dim3A_572 : vector<256x1xf32> to vector<256x256xf32>
    %broadcast_in_dim3A_574 = vector.broadcast %jit3A_571 : f32 to vector<256x256xf32>
    %select_n3A_575 = arith.select %eq3A_559, %broadcast_in_dim3A_573, %broadcast_in_dim3A_574 : vector<256x256xi1>, vector<256x256xf32>
    %reduce_sum3A_576 = arith.constant dense<0.000000e+00> : vector<256xf32>
    %reduce_sum3A_577 = vector.multi_reduction <add>, %select_n3A_575, %reduce_sum3A_576 [0] : vector<256x256xf32> to vector<256xf32>
    %broadcast_in_dim3A_578 = vector.shape_cast %reduce_sum3A_577 : vector<256xf32> to vector<1x256xf32>
    %add3A_579 = arith.addf %add3A_445, %broadcast_in_dim3A_578 : vector<1x256xf32>
    %slice3A_580 = vector.extract_strided_slice %slice3A_34 {offsets = [1024, 0], sizes = [256, 1], strides = [1, 1]} : vector<2048x1xf32> to vector<256x1xf32>
    %broadcast_in_dim3A_581 = arith.constant 0 : i32
    %broadcast_in_dim3A_582 = vector.broadcast %broadcast_in_dim3A_581 : i32 to vector<256x128xi32>
    %slice3A_583 = vector.extract_strided_slice %broadcast_in_dim3A_30 {offsets = [0, 0], sizes = [1, 128], strides = [1, 1]} : vector<1x2048xf32> to vector<1x128xf32>
    %ge3A_584 = vector.broadcast %slice3A_583 : vector<1x128xf32> to vector<256x128xf32>
    %ge3A_585 = vector.broadcast %slice3A_580 : vector<256x1xf32> to vector<256x128xf32>
    %ge3A_586 = arith.cmpf oge, %ge3A_584, %ge3A_585 : vector<256x128xf32>
    %convert_element_type3A_587 = arith.extui %ge3A_586 : vector<256x128xi1> to vector<256x128xi32>
    %add3A_588 = arith.addi %broadcast_in_dim3A_582, %convert_element_type3A_587 : vector<256x128xi32>
    %slice3A_589 = vector.extract_strided_slice %broadcast_in_dim3A_30 {offsets = [0, 128], sizes = [1, 128], strides = [1, 1]} : vector<1x2048xf32> to vector<1x128xf32>
    %ge3A_590 = vector.broadcast %slice3A_589 : vector<1x128xf32> to vector<256x128xf32>
    %ge3A_591 = vector.broadcast %slice3A_580 : vector<256x1xf32> to vector<256x128xf32>
    %ge3A_592 = arith.cmpf oge, %ge3A_590, %ge3A_591 : vector<256x128xf32>
    %convert_element_type3A_593 = arith.extui %ge3A_592 : vector<256x128xi1> to vector<256x128xi32>
    %add3A_594 = arith.addi %add3A_588, %convert_element_type3A_593 : vector<256x128xi32>
    %slice3A_595 = vector.extract_strided_slice %broadcast_in_dim3A_30 {offsets = [0, 256], sizes = [1, 128], strides = [1, 1]} : vector<1x2048xf32> to vector<1x128xf32>
    %ge3A_596 = vector.broadcast %slice3A_595 : vector<1x128xf32> to vector<256x128xf32>
    %ge3A_597 = vector.broadcast %slice3A_580 : vector<256x1xf32> to vector<256x128xf32>
    %ge3A_598 = arith.cmpf oge, %ge3A_596, %ge3A_597 : vector<256x128xf32>
    %convert_element_type3A_599 = arith.extui %ge3A_598 : vector<256x128xi1> to vector<256x128xi32>
    %add3A_600 = arith.addi %add3A_594, %convert_element_type3A_599 : vector<256x128xi32>
    %slice3A_601 = vector.extract_strided_slice %broadcast_in_dim3A_30 {offsets = [0, 384], sizes = [1, 128], strides = [1, 1]} : vector<1x2048xf32> to vector<1x128xf32>
    %ge3A_602 = vector.broadcast %slice3A_601 : vector<1x128xf32> to vector<256x128xf32>
    %ge3A_603 = vector.broadcast %slice3A_580 : vector<256x1xf32> to vector<256x128xf32>
    %ge3A_604 = arith.cmpf oge, %ge3A_602, %ge3A_603 : vector<256x128xf32>
    %convert_element_type3A_605 = arith.extui %ge3A_604 : vector<256x128xi1> to vector<256x128xi32>
    %add3A_606 = arith.addi %add3A_600, %convert_element_type3A_605 : vector<256x128xi32>
    %slice3A_607 = vector.extract_strided_slice %broadcast_in_dim3A_30 {offsets = [0, 512], sizes = [1, 128], strides = [1, 1]} : vector<1x2048xf32> to vector<1x128xf32>
    %ge3A_608 = vector.broadcast %slice3A_607 : vector<1x128xf32> to vector<256x128xf32>
    %ge3A_609 = vector.broadcast %slice3A_580 : vector<256x1xf32> to vector<256x128xf32>
    %ge3A_610 = arith.cmpf oge, %ge3A_608, %ge3A_609 : vector<256x128xf32>
    %convert_element_type3A_611 = arith.extui %ge3A_610 : vector<256x128xi1> to vector<256x128xi32>
    %add3A_612 = arith.addi %add3A_606, %convert_element_type3A_611 : vector<256x128xi32>
    %slice3A_613 = vector.extract_strided_slice %broadcast_in_dim3A_30 {offsets = [0, 640], sizes = [1, 128], strides = [1, 1]} : vector<1x2048xf32> to vector<1x128xf32>
    %ge3A_614 = vector.broadcast %slice3A_613 : vector<1x128xf32> to vector<256x128xf32>
    %ge3A_615 = vector.broadcast %slice3A_580 : vector<256x1xf32> to vector<256x128xf32>
    %ge3A_616 = arith.cmpf oge, %ge3A_614, %ge3A_615 : vector<256x128xf32>
    %convert_element_type3A_617 = arith.extui %ge3A_616 : vector<256x128xi1> to vector<256x128xi32>
    %add3A_618 = arith.addi %add3A_612, %convert_element_type3A_617 : vector<256x128xi32>
    %slice3A_619 = vector.extract_strided_slice %broadcast_in_dim3A_30 {offsets = [0, 768], sizes = [1, 128], strides = [1, 1]} : vector<1x2048xf32> to vector<1x128xf32>
    %ge3A_620 = vector.broadcast %slice3A_619 : vector<1x128xf32> to vector<256x128xf32>
    %ge3A_621 = vector.broadcast %slice3A_580 : vector<256x1xf32> to vector<256x128xf32>
    %ge3A_622 = arith.cmpf oge, %ge3A_620, %ge3A_621 : vector<256x128xf32>
    %convert_element_type3A_623 = arith.extui %ge3A_622 : vector<256x128xi1> to vector<256x128xi32>
    %add3A_624 = arith.addi %add3A_618, %convert_element_type3A_623 : vector<256x128xi32>
    %slice3A_625 = vector.extract_strided_slice %broadcast_in_dim3A_30 {offsets = [0, 896], sizes = [1, 128], strides = [1, 1]} : vector<1x2048xf32> to vector<1x128xf32>
    %ge3A_626 = vector.broadcast %slice3A_625 : vector<1x128xf32> to vector<256x128xf32>
    %ge3A_627 = vector.broadcast %slice3A_580 : vector<256x1xf32> to vector<256x128xf32>
    %ge3A_628 = arith.cmpf oge, %ge3A_626, %ge3A_627 : vector<256x128xf32>
    %convert_element_type3A_629 = arith.extui %ge3A_628 : vector<256x128xi1> to vector<256x128xi32>
    %add3A_630 = arith.addi %add3A_624, %convert_element_type3A_629 : vector<256x128xi32>
    %slice3A_631 = vector.extract_strided_slice %broadcast_in_dim3A_30 {offsets = [0, 1024], sizes = [1, 128], strides = [1, 1]} : vector<1x2048xf32> to vector<1x128xf32>
    %gt3A_632 = vector.broadcast %slice3A_631 : vector<1x128xf32> to vector<256x128xf32>
    %gt3A_633 = vector.broadcast %slice3A_580 : vector<256x1xf32> to vector<256x128xf32>
    %gt3A_634 = arith.cmpf ogt, %gt3A_632, %gt3A_633 : vector<256x128xf32>
    %eq3A_635 = vector.broadcast %slice3A_631 : vector<1x128xf32> to vector<256x128xf32>
    %eq3A_636 = vector.broadcast %slice3A_580 : vector<256x1xf32> to vector<256x128xf32>
    %eq3A_637 = arith.cmpf oeq, %eq3A_635, %eq3A_636 : vector<256x128xf32>
    %and3A_638 = arith.andi %eq3A_637, %lt3A : vector<256x128xi1>
    %or3A_639 = arith.ori %gt3A_634, %and3A_638 : vector<256x128xi1>
    %convert_element_type3A_640 = arith.extui %or3A_639 : vector<256x128xi1> to vector<256x128xi32>
    %add3A_641 = arith.addi %add3A_630, %convert_element_type3A_640 : vector<256x128xi32>
    %slice3A_642 = vector.extract_strided_slice %broadcast_in_dim3A_30 {offsets = [0, 1152], sizes = [1, 128], strides = [1, 1]} : vector<1x2048xf32> to vector<1x128xf32>
    %gt3A_643 = vector.broadcast %slice3A_642 : vector<1x128xf32> to vector<256x128xf32>
    %gt3A_644 = vector.broadcast %slice3A_580 : vector<256x1xf32> to vector<256x128xf32>
    %gt3A_645 = arith.cmpf ogt, %gt3A_643, %gt3A_644 : vector<256x128xf32>
    %eq3A_646 = vector.broadcast %slice3A_642 : vector<1x128xf32> to vector<256x128xf32>
    %eq3A_647 = vector.broadcast %slice3A_580 : vector<256x1xf32> to vector<256x128xf32>
    %eq3A_648 = arith.cmpf oeq, %eq3A_646, %eq3A_647 : vector<256x128xf32>
    %and3A_649 = arith.andi %eq3A_648, %lt3A_42 : vector<256x128xi1>
    %or3A_650 = arith.ori %gt3A_645, %and3A_649 : vector<256x128xi1>
    %convert_element_type3A_651 = arith.extui %or3A_650 : vector<256x128xi1> to vector<256x128xi32>
    %add3A_652 = arith.addi %add3A_641, %convert_element_type3A_651 : vector<256x128xi32>
    %slice3A_653 = vector.extract_strided_slice %broadcast_in_dim3A_30 {offsets = [0, 1280], sizes = [1, 128], strides = [1, 1]} : vector<1x2048xf32> to vector<1x128xf32>
    %gt3A_654 = vector.broadcast %slice3A_653 : vector<1x128xf32> to vector<256x128xf32>
    %gt3A_655 = vector.broadcast %slice3A_580 : vector<256x1xf32> to vector<256x128xf32>
    %gt3A_656 = arith.cmpf ogt, %gt3A_654, %gt3A_655 : vector<256x128xf32>
    %convert_element_type3A_657 = arith.extui %gt3A_656 : vector<256x128xi1> to vector<256x128xi32>
    %add3A_658 = arith.addi %add3A_652, %convert_element_type3A_657 : vector<256x128xi32>
    %slice3A_659 = vector.extract_strided_slice %broadcast_in_dim3A_30 {offsets = [0, 1408], sizes = [1, 128], strides = [1, 1]} : vector<1x2048xf32> to vector<1x128xf32>
    %gt3A_660 = vector.broadcast %slice3A_659 : vector<1x128xf32> to vector<256x128xf32>
    %gt3A_661 = vector.broadcast %slice3A_580 : vector<256x1xf32> to vector<256x128xf32>
    %gt3A_662 = arith.cmpf ogt, %gt3A_660, %gt3A_661 : vector<256x128xf32>
    %convert_element_type3A_663 = arith.extui %gt3A_662 : vector<256x128xi1> to vector<256x128xi32>
    %add3A_664 = arith.addi %add3A_658, %convert_element_type3A_663 : vector<256x128xi32>
    %slice3A_665 = vector.extract_strided_slice %broadcast_in_dim3A_30 {offsets = [0, 1536], sizes = [1, 128], strides = [1, 1]} : vector<1x2048xf32> to vector<1x128xf32>
    %gt3A_666 = vector.broadcast %slice3A_665 : vector<1x128xf32> to vector<256x128xf32>
    %gt3A_667 = vector.broadcast %slice3A_580 : vector<256x1xf32> to vector<256x128xf32>
    %gt3A_668 = arith.cmpf ogt, %gt3A_666, %gt3A_667 : vector<256x128xf32>
    %convert_element_type3A_669 = arith.extui %gt3A_668 : vector<256x128xi1> to vector<256x128xi32>
    %add3A_670 = arith.addi %add3A_664, %convert_element_type3A_669 : vector<256x128xi32>
    %slice3A_671 = vector.extract_strided_slice %broadcast_in_dim3A_30 {offsets = [0, 1664], sizes = [1, 128], strides = [1, 1]} : vector<1x2048xf32> to vector<1x128xf32>
    %gt3A_672 = vector.broadcast %slice3A_671 : vector<1x128xf32> to vector<256x128xf32>
    %gt3A_673 = vector.broadcast %slice3A_580 : vector<256x1xf32> to vector<256x128xf32>
    %gt3A_674 = arith.cmpf ogt, %gt3A_672, %gt3A_673 : vector<256x128xf32>
    %convert_element_type3A_675 = arith.extui %gt3A_674 : vector<256x128xi1> to vector<256x128xi32>
    %add3A_676 = arith.addi %add3A_670, %convert_element_type3A_675 : vector<256x128xi32>
    %slice3A_677 = vector.extract_strided_slice %broadcast_in_dim3A_30 {offsets = [0, 1792], sizes = [1, 128], strides = [1, 1]} : vector<1x2048xf32> to vector<1x128xf32>
    %gt3A_678 = vector.broadcast %slice3A_677 : vector<1x128xf32> to vector<256x128xf32>
    %gt3A_679 = vector.broadcast %slice3A_580 : vector<256x1xf32> to vector<256x128xf32>
    %gt3A_680 = arith.cmpf ogt, %gt3A_678, %gt3A_679 : vector<256x128xf32>
    %convert_element_type3A_681 = arith.extui %gt3A_680 : vector<256x128xi1> to vector<256x128xi32>
    %add3A_682 = arith.addi %add3A_676, %convert_element_type3A_681 : vector<256x128xi32>
    %slice3A_683 = vector.extract_strided_slice %broadcast_in_dim3A_30 {offsets = [0, 1920], sizes = [1, 128], strides = [1, 1]} : vector<1x2048xf32> to vector<1x128xf32>
    %gt3A_684 = vector.broadcast %slice3A_683 : vector<1x128xf32> to vector<256x128xf32>
    %gt3A_685 = vector.broadcast %slice3A_580 : vector<256x1xf32> to vector<256x128xf32>
    %gt3A_686 = arith.cmpf ogt, %gt3A_684, %gt3A_685 : vector<256x128xf32>
    %convert_element_type3A_687 = arith.extui %gt3A_686 : vector<256x128xi1> to vector<256x128xi32>
    %add3A_688 = arith.addi %add3A_682, %convert_element_type3A_687 : vector<256x128xi32>
    %reduce_sum3A_689 = arith.constant dense<0> : vector<256xi32>
    %reduce_sum3A_690 = vector.multi_reduction <add>, %add3A_688, %reduce_sum3A_689 [1] : vector<256x128xi32> to vector<256xi32>
    %broadcast_in_dim3A_691 = vector.shape_cast %reduce_sum3A_690 : vector<256xi32> to vector<256x1xi32>
    %eq3A_692 = vector.broadcast %broadcast_in_dim3A_691 : vector<256x1xi32> to vector<256x256xi32>
    %eq3A_693 = arith.cmpi eq, %eq3A_692, %iota3A_43 : vector<256x256xi32>
    %add3A_694 = arith.constant 1024 : i32
    %add3A_695 = vector.broadcast %add3A_694 : i32 to vector<256x256xi32>
    %add3A_696 = arith.addi %add3A_695, %iota3A_44 : vector<256x256xi32>
    %jit3A_697 = arith.constant 0 : i32
    %broadcast_in_dim3A_698 = vector.broadcast %jit3A_697 : i32 to vector<256x256xi32>
    %select_n3A_699 = arith.select %eq3A_693, %add3A_696, %broadcast_in_dim3A_698 : vector<256x256xi1>, vector<256x256xi32>
    %reduce_sum3A_700 = arith.constant dense<0> : vector<256xi32>
    %reduce_sum3A_701 = vector.multi_reduction <add>, %select_n3A_699, %reduce_sum3A_700 [0] : vector<256x256xi32> to vector<256xi32>
    %broadcast_in_dim3A_702 = vector.shape_cast %reduce_sum3A_701 : vector<256xi32> to vector<1x256xi32>
    %add3A_703 = arith.addi %add3A_569, %broadcast_in_dim3A_702 : vector<1x256xi32>
    %slice3A_704 = vector.extract_strided_slice %slice3A {offsets = [1024, 0], sizes = [256, 1], strides = [1, 1]} : vector<2048x1xf32> to vector<256x1xf32>
    %jit3A_705 = arith.constant 0.000000e+00 : f32
    %broadcast_in_dim3A_706 = vector.shape_cast %slice3A_704 : vector<256x1xf32> to vector<256x1xf32>
    %broadcast_in_dim3A_707 = vector.broadcast %broadcast_in_dim3A_706 : vector<256x1xf32> to vector<256x256xf32>
    %broadcast_in_dim3A_708 = vector.broadcast %jit3A_705 : f32 to vector<256x256xf32>
    %select_n3A_709 = arith.select %eq3A_693, %broadcast_in_dim3A_707, %broadcast_in_dim3A_708 : vector<256x256xi1>, vector<256x256xf32>
    %reduce_sum3A_710 = arith.constant dense<0.000000e+00> : vector<256xf32>
    %reduce_sum3A_711 = vector.multi_reduction <add>, %select_n3A_709, %reduce_sum3A_710 [0] : vector<256x256xf32> to vector<256xf32>
    %broadcast_in_dim3A_712 = vector.shape_cast %reduce_sum3A_711 : vector<256xf32> to vector<1x256xf32>
    %add3A_713 = arith.addf %add3A_579, %broadcast_in_dim3A_712 : vector<1x256xf32>
    %slice3A_714 = vector.extract_strided_slice %slice3A_34 {offsets = [1280, 0], sizes = [256, 1], strides = [1, 1]} : vector<2048x1xf32> to vector<256x1xf32>
    %broadcast_in_dim3A_715 = arith.constant 0 : i32
    %broadcast_in_dim3A_716 = vector.broadcast %broadcast_in_dim3A_715 : i32 to vector<256x128xi32>
    %slice3A_717 = vector.extract_strided_slice %broadcast_in_dim3A_30 {offsets = [0, 0], sizes = [1, 128], strides = [1, 1]} : vector<1x2048xf32> to vector<1x128xf32>
    %ge3A_718 = vector.broadcast %slice3A_717 : vector<1x128xf32> to vector<256x128xf32>
    %ge3A_719 = vector.broadcast %slice3A_714 : vector<256x1xf32> to vector<256x128xf32>
    %ge3A_720 = arith.cmpf oge, %ge3A_718, %ge3A_719 : vector<256x128xf32>
    %convert_element_type3A_721 = arith.extui %ge3A_720 : vector<256x128xi1> to vector<256x128xi32>
    %add3A_722 = arith.addi %broadcast_in_dim3A_716, %convert_element_type3A_721 : vector<256x128xi32>
    %slice3A_723 = vector.extract_strided_slice %broadcast_in_dim3A_30 {offsets = [0, 128], sizes = [1, 128], strides = [1, 1]} : vector<1x2048xf32> to vector<1x128xf32>
    %ge3A_724 = vector.broadcast %slice3A_723 : vector<1x128xf32> to vector<256x128xf32>
    %ge3A_725 = vector.broadcast %slice3A_714 : vector<256x1xf32> to vector<256x128xf32>
    %ge3A_726 = arith.cmpf oge, %ge3A_724, %ge3A_725 : vector<256x128xf32>
    %convert_element_type3A_727 = arith.extui %ge3A_726 : vector<256x128xi1> to vector<256x128xi32>
    %add3A_728 = arith.addi %add3A_722, %convert_element_type3A_727 : vector<256x128xi32>
    %slice3A_729 = vector.extract_strided_slice %broadcast_in_dim3A_30 {offsets = [0, 256], sizes = [1, 128], strides = [1, 1]} : vector<1x2048xf32> to vector<1x128xf32>
    %ge3A_730 = vector.broadcast %slice3A_729 : vector<1x128xf32> to vector<256x128xf32>
    %ge3A_731 = vector.broadcast %slice3A_714 : vector<256x1xf32> to vector<256x128xf32>
    %ge3A_732 = arith.cmpf oge, %ge3A_730, %ge3A_731 : vector<256x128xf32>
    %convert_element_type3A_733 = arith.extui %ge3A_732 : vector<256x128xi1> to vector<256x128xi32>
    %add3A_734 = arith.addi %add3A_728, %convert_element_type3A_733 : vector<256x128xi32>
    %slice3A_735 = vector.extract_strided_slice %broadcast_in_dim3A_30 {offsets = [0, 384], sizes = [1, 128], strides = [1, 1]} : vector<1x2048xf32> to vector<1x128xf32>
    %ge3A_736 = vector.broadcast %slice3A_735 : vector<1x128xf32> to vector<256x128xf32>
    %ge3A_737 = vector.broadcast %slice3A_714 : vector<256x1xf32> to vector<256x128xf32>
    %ge3A_738 = arith.cmpf oge, %ge3A_736, %ge3A_737 : vector<256x128xf32>
    %convert_element_type3A_739 = arith.extui %ge3A_738 : vector<256x128xi1> to vector<256x128xi32>
    %add3A_740 = arith.addi %add3A_734, %convert_element_type3A_739 : vector<256x128xi32>
    %slice3A_741 = vector.extract_strided_slice %broadcast_in_dim3A_30 {offsets = [0, 512], sizes = [1, 128], strides = [1, 1]} : vector<1x2048xf32> to vector<1x128xf32>
    %ge3A_742 = vector.broadcast %slice3A_741 : vector<1x128xf32> to vector<256x128xf32>
    %ge3A_743 = vector.broadcast %slice3A_714 : vector<256x1xf32> to vector<256x128xf32>
    %ge3A_744 = arith.cmpf oge, %ge3A_742, %ge3A_743 : vector<256x128xf32>
    %convert_element_type3A_745 = arith.extui %ge3A_744 : vector<256x128xi1> to vector<256x128xi32>
    %add3A_746 = arith.addi %add3A_740, %convert_element_type3A_745 : vector<256x128xi32>
    %slice3A_747 = vector.extract_strided_slice %broadcast_in_dim3A_30 {offsets = [0, 640], sizes = [1, 128], strides = [1, 1]} : vector<1x2048xf32> to vector<1x128xf32>
    %ge3A_748 = vector.broadcast %slice3A_747 : vector<1x128xf32> to vector<256x128xf32>
    %ge3A_749 = vector.broadcast %slice3A_714 : vector<256x1xf32> to vector<256x128xf32>
    %ge3A_750 = arith.cmpf oge, %ge3A_748, %ge3A_749 : vector<256x128xf32>
    %convert_element_type3A_751 = arith.extui %ge3A_750 : vector<256x128xi1> to vector<256x128xi32>
    %add3A_752 = arith.addi %add3A_746, %convert_element_type3A_751 : vector<256x128xi32>
    %slice3A_753 = vector.extract_strided_slice %broadcast_in_dim3A_30 {offsets = [0, 768], sizes = [1, 128], strides = [1, 1]} : vector<1x2048xf32> to vector<1x128xf32>
    %ge3A_754 = vector.broadcast %slice3A_753 : vector<1x128xf32> to vector<256x128xf32>
    %ge3A_755 = vector.broadcast %slice3A_714 : vector<256x1xf32> to vector<256x128xf32>
    %ge3A_756 = arith.cmpf oge, %ge3A_754, %ge3A_755 : vector<256x128xf32>
    %convert_element_type3A_757 = arith.extui %ge3A_756 : vector<256x128xi1> to vector<256x128xi32>
    %add3A_758 = arith.addi %add3A_752, %convert_element_type3A_757 : vector<256x128xi32>
    %slice3A_759 = vector.extract_strided_slice %broadcast_in_dim3A_30 {offsets = [0, 896], sizes = [1, 128], strides = [1, 1]} : vector<1x2048xf32> to vector<1x128xf32>
    %ge3A_760 = vector.broadcast %slice3A_759 : vector<1x128xf32> to vector<256x128xf32>
    %ge3A_761 = vector.broadcast %slice3A_714 : vector<256x1xf32> to vector<256x128xf32>
    %ge3A_762 = arith.cmpf oge, %ge3A_760, %ge3A_761 : vector<256x128xf32>
    %convert_element_type3A_763 = arith.extui %ge3A_762 : vector<256x128xi1> to vector<256x128xi32>
    %add3A_764 = arith.addi %add3A_758, %convert_element_type3A_763 : vector<256x128xi32>
    %slice3A_765 = vector.extract_strided_slice %broadcast_in_dim3A_30 {offsets = [0, 1024], sizes = [1, 128], strides = [1, 1]} : vector<1x2048xf32> to vector<1x128xf32>
    %ge3A_766 = vector.broadcast %slice3A_765 : vector<1x128xf32> to vector<256x128xf32>
    %ge3A_767 = vector.broadcast %slice3A_714 : vector<256x1xf32> to vector<256x128xf32>
    %ge3A_768 = arith.cmpf oge, %ge3A_766, %ge3A_767 : vector<256x128xf32>
    %convert_element_type3A_769 = arith.extui %ge3A_768 : vector<256x128xi1> to vector<256x128xi32>
    %add3A_770 = arith.addi %add3A_764, %convert_element_type3A_769 : vector<256x128xi32>
    %slice3A_771 = vector.extract_strided_slice %broadcast_in_dim3A_30 {offsets = [0, 1152], sizes = [1, 128], strides = [1, 1]} : vector<1x2048xf32> to vector<1x128xf32>
    %ge3A_772 = vector.broadcast %slice3A_771 : vector<1x128xf32> to vector<256x128xf32>
    %ge3A_773 = vector.broadcast %slice3A_714 : vector<256x1xf32> to vector<256x128xf32>
    %ge3A_774 = arith.cmpf oge, %ge3A_772, %ge3A_773 : vector<256x128xf32>
    %convert_element_type3A_775 = arith.extui %ge3A_774 : vector<256x128xi1> to vector<256x128xi32>
    %add3A_776 = arith.addi %add3A_770, %convert_element_type3A_775 : vector<256x128xi32>
    %slice3A_777 = vector.extract_strided_slice %broadcast_in_dim3A_30 {offsets = [0, 1280], sizes = [1, 128], strides = [1, 1]} : vector<1x2048xf32> to vector<1x128xf32>
    %gt3A_778 = vector.broadcast %slice3A_777 : vector<1x128xf32> to vector<256x128xf32>
    %gt3A_779 = vector.broadcast %slice3A_714 : vector<256x1xf32> to vector<256x128xf32>
    %gt3A_780 = arith.cmpf ogt, %gt3A_778, %gt3A_779 : vector<256x128xf32>
    %eq3A_781 = vector.broadcast %slice3A_777 : vector<1x128xf32> to vector<256x128xf32>
    %eq3A_782 = vector.broadcast %slice3A_714 : vector<256x1xf32> to vector<256x128xf32>
    %eq3A_783 = arith.cmpf oeq, %eq3A_781, %eq3A_782 : vector<256x128xf32>
    %and3A_784 = arith.andi %eq3A_783, %lt3A : vector<256x128xi1>
    %or3A_785 = arith.ori %gt3A_780, %and3A_784 : vector<256x128xi1>
    %convert_element_type3A_786 = arith.extui %or3A_785 : vector<256x128xi1> to vector<256x128xi32>
    %add3A_787 = arith.addi %add3A_776, %convert_element_type3A_786 : vector<256x128xi32>
    %slice3A_788 = vector.extract_strided_slice %broadcast_in_dim3A_30 {offsets = [0, 1408], sizes = [1, 128], strides = [1, 1]} : vector<1x2048xf32> to vector<1x128xf32>
    %gt3A_789 = vector.broadcast %slice3A_788 : vector<1x128xf32> to vector<256x128xf32>
    %gt3A_790 = vector.broadcast %slice3A_714 : vector<256x1xf32> to vector<256x128xf32>
    %gt3A_791 = arith.cmpf ogt, %gt3A_789, %gt3A_790 : vector<256x128xf32>
    %eq3A_792 = vector.broadcast %slice3A_788 : vector<1x128xf32> to vector<256x128xf32>
    %eq3A_793 = vector.broadcast %slice3A_714 : vector<256x1xf32> to vector<256x128xf32>
    %eq3A_794 = arith.cmpf oeq, %eq3A_792, %eq3A_793 : vector<256x128xf32>
    %and3A_795 = arith.andi %eq3A_794, %lt3A_42 : vector<256x128xi1>
    %or3A_796 = arith.ori %gt3A_791, %and3A_795 : vector<256x128xi1>
    %convert_element_type3A_797 = arith.extui %or3A_796 : vector<256x128xi1> to vector<256x128xi32>
    %add3A_798 = arith.addi %add3A_787, %convert_element_type3A_797 : vector<256x128xi32>
    %slice3A_799 = vector.extract_strided_slice %broadcast_in_dim3A_30 {offsets = [0, 1536], sizes = [1, 128], strides = [1, 1]} : vector<1x2048xf32> to vector<1x128xf32>
    %gt3A_800 = vector.broadcast %slice3A_799 : vector<1x128xf32> to vector<256x128xf32>
    %gt3A_801 = vector.broadcast %slice3A_714 : vector<256x1xf32> to vector<256x128xf32>
    %gt3A_802 = arith.cmpf ogt, %gt3A_800, %gt3A_801 : vector<256x128xf32>
    %convert_element_type3A_803 = arith.extui %gt3A_802 : vector<256x128xi1> to vector<256x128xi32>
    %add3A_804 = arith.addi %add3A_798, %convert_element_type3A_803 : vector<256x128xi32>
    %slice3A_805 = vector.extract_strided_slice %broadcast_in_dim3A_30 {offsets = [0, 1664], sizes = [1, 128], strides = [1, 1]} : vector<1x2048xf32> to vector<1x128xf32>
    %gt3A_806 = vector.broadcast %slice3A_805 : vector<1x128xf32> to vector<256x128xf32>
    %gt3A_807 = vector.broadcast %slice3A_714 : vector<256x1xf32> to vector<256x128xf32>
    %gt3A_808 = arith.cmpf ogt, %gt3A_806, %gt3A_807 : vector<256x128xf32>
    %convert_element_type3A_809 = arith.extui %gt3A_808 : vector<256x128xi1> to vector<256x128xi32>
    %add3A_810 = arith.addi %add3A_804, %convert_element_type3A_809 : vector<256x128xi32>
    %slice3A_811 = vector.extract_strided_slice %broadcast_in_dim3A_30 {offsets = [0, 1792], sizes = [1, 128], strides = [1, 1]} : vector<1x2048xf32> to vector<1x128xf32>
    %gt3A_812 = vector.broadcast %slice3A_811 : vector<1x128xf32> to vector<256x128xf32>
    %gt3A_813 = vector.broadcast %slice3A_714 : vector<256x1xf32> to vector<256x128xf32>
    %gt3A_814 = arith.cmpf ogt, %gt3A_812, %gt3A_813 : vector<256x128xf32>
    %convert_element_type3A_815 = arith.extui %gt3A_814 : vector<256x128xi1> to vector<256x128xi32>
    %add3A_816 = arith.addi %add3A_810, %convert_element_type3A_815 : vector<256x128xi32>
    %slice3A_817 = vector.extract_strided_slice %broadcast_in_dim3A_30 {offsets = [0, 1920], sizes = [1, 128], strides = [1, 1]} : vector<1x2048xf32> to vector<1x128xf32>
    %gt3A_818 = vector.broadcast %slice3A_817 : vector<1x128xf32> to vector<256x128xf32>
    %gt3A_819 = vector.broadcast %slice3A_714 : vector<256x1xf32> to vector<256x128xf32>
    %gt3A_820 = arith.cmpf ogt, %gt3A_818, %gt3A_819 : vector<256x128xf32>
    %convert_element_type3A_821 = arith.extui %gt3A_820 : vector<256x128xi1> to vector<256x128xi32>
    %add3A_822 = arith.addi %add3A_816, %convert_element_type3A_821 : vector<256x128xi32>
    %reduce_sum3A_823 = arith.constant dense<0> : vector<256xi32>
    %reduce_sum3A_824 = vector.multi_reduction <add>, %add3A_822, %reduce_sum3A_823 [1] : vector<256x128xi32> to vector<256xi32>
    %broadcast_in_dim3A_825 = vector.shape_cast %reduce_sum3A_824 : vector<256xi32> to vector<256x1xi32>
    %eq3A_826 = vector.broadcast %broadcast_in_dim3A_825 : vector<256x1xi32> to vector<256x256xi32>
    %eq3A_827 = arith.cmpi eq, %eq3A_826, %iota3A_43 : vector<256x256xi32>
    %add3A_828 = arith.constant 1280 : i32
    %add3A_829 = vector.broadcast %add3A_828 : i32 to vector<256x256xi32>
    %add3A_830 = arith.addi %add3A_829, %iota3A_44 : vector<256x256xi32>
    %jit3A_831 = arith.constant 0 : i32
    %broadcast_in_dim3A_832 = vector.broadcast %jit3A_831 : i32 to vector<256x256xi32>
    %select_n3A_833 = arith.select %eq3A_827, %add3A_830, %broadcast_in_dim3A_832 : vector<256x256xi1>, vector<256x256xi32>
    %reduce_sum3A_834 = arith.constant dense<0> : vector<256xi32>
    %reduce_sum3A_835 = vector.multi_reduction <add>, %select_n3A_833, %reduce_sum3A_834 [0] : vector<256x256xi32> to vector<256xi32>
    %broadcast_in_dim3A_836 = vector.shape_cast %reduce_sum3A_835 : vector<256xi32> to vector<1x256xi32>
    %add3A_837 = arith.addi %add3A_703, %broadcast_in_dim3A_836 : vector<1x256xi32>
    %slice3A_838 = vector.extract_strided_slice %slice3A {offsets = [1280, 0], sizes = [256, 1], strides = [1, 1]} : vector<2048x1xf32> to vector<256x1xf32>
    %jit3A_839 = arith.constant 0.000000e+00 : f32
    %broadcast_in_dim3A_840 = vector.shape_cast %slice3A_838 : vector<256x1xf32> to vector<256x1xf32>
    %broadcast_in_dim3A_841 = vector.broadcast %broadcast_in_dim3A_840 : vector<256x1xf32> to vector<256x256xf32>
    %broadcast_in_dim3A_842 = vector.broadcast %jit3A_839 : f32 to vector<256x256xf32>
    %select_n3A_843 = arith.select %eq3A_827, %broadcast_in_dim3A_841, %broadcast_in_dim3A_842 : vector<256x256xi1>, vector<256x256xf32>
    %reduce_sum3A_844 = arith.constant dense<0.000000e+00> : vector<256xf32>
    %reduce_sum3A_845 = vector.multi_reduction <add>, %select_n3A_843, %reduce_sum3A_844 [0] : vector<256x256xf32> to vector<256xf32>
    %broadcast_in_dim3A_846 = vector.shape_cast %reduce_sum3A_845 : vector<256xf32> to vector<1x256xf32>
    %add3A_847 = arith.addf %add3A_713, %broadcast_in_dim3A_846 : vector<1x256xf32>
    %slice3A_848 = vector.extract_strided_slice %slice3A_34 {offsets = [1536, 0], sizes = [256, 1], strides = [1, 1]} : vector<2048x1xf32> to vector<256x1xf32>
    %broadcast_in_dim3A_849 = arith.constant 0 : i32
    %broadcast_in_dim3A_850 = vector.broadcast %broadcast_in_dim3A_849 : i32 to vector<256x128xi32>
    %slice3A_851 = vector.extract_strided_slice %broadcast_in_dim3A_30 {offsets = [0, 0], sizes = [1, 128], strides = [1, 1]} : vector<1x2048xf32> to vector<1x128xf32>
    %ge3A_852 = vector.broadcast %slice3A_851 : vector<1x128xf32> to vector<256x128xf32>
    %ge3A_853 = vector.broadcast %slice3A_848 : vector<256x1xf32> to vector<256x128xf32>
    %ge3A_854 = arith.cmpf oge, %ge3A_852, %ge3A_853 : vector<256x128xf32>
    %convert_element_type3A_855 = arith.extui %ge3A_854 : vector<256x128xi1> to vector<256x128xi32>
    %add3A_856 = arith.addi %broadcast_in_dim3A_850, %convert_element_type3A_855 : vector<256x128xi32>
    %slice3A_857 = vector.extract_strided_slice %broadcast_in_dim3A_30 {offsets = [0, 128], sizes = [1, 128], strides = [1, 1]} : vector<1x2048xf32> to vector<1x128xf32>
    %ge3A_858 = vector.broadcast %slice3A_857 : vector<1x128xf32> to vector<256x128xf32>
    %ge3A_859 = vector.broadcast %slice3A_848 : vector<256x1xf32> to vector<256x128xf32>
    %ge3A_860 = arith.cmpf oge, %ge3A_858, %ge3A_859 : vector<256x128xf32>
    %convert_element_type3A_861 = arith.extui %ge3A_860 : vector<256x128xi1> to vector<256x128xi32>
    %add3A_862 = arith.addi %add3A_856, %convert_element_type3A_861 : vector<256x128xi32>
    %slice3A_863 = vector.extract_strided_slice %broadcast_in_dim3A_30 {offsets = [0, 256], sizes = [1, 128], strides = [1, 1]} : vector<1x2048xf32> to vector<1x128xf32>
    %ge3A_864 = vector.broadcast %slice3A_863 : vector<1x128xf32> to vector<256x128xf32>
    %ge3A_865 = vector.broadcast %slice3A_848 : vector<256x1xf32> to vector<256x128xf32>
    %ge3A_866 = arith.cmpf oge, %ge3A_864, %ge3A_865 : vector<256x128xf32>
    %convert_element_type3A_867 = arith.extui %ge3A_866 : vector<256x128xi1> to vector<256x128xi32>
    %add3A_868 = arith.addi %add3A_862, %convert_element_type3A_867 : vector<256x128xi32>
    %slice3A_869 = vector.extract_strided_slice %broadcast_in_dim3A_30 {offsets = [0, 384], sizes = [1, 128], strides = [1, 1]} : vector<1x2048xf32> to vector<1x128xf32>
    %ge3A_870 = vector.broadcast %slice3A_869 : vector<1x128xf32> to vector<256x128xf32>
    %ge3A_871 = vector.broadcast %slice3A_848 : vector<256x1xf32> to vector<256x128xf32>
    %ge3A_872 = arith.cmpf oge, %ge3A_870, %ge3A_871 : vector<256x128xf32>
    %convert_element_type3A_873 = arith.extui %ge3A_872 : vector<256x128xi1> to vector<256x128xi32>
    %add3A_874 = arith.addi %add3A_868, %convert_element_type3A_873 : vector<256x128xi32>
    %slice3A_875 = vector.extract_strided_slice %broadcast_in_dim3A_30 {offsets = [0, 512], sizes = [1, 128], strides = [1, 1]} : vector<1x2048xf32> to vector<1x128xf32>
    %ge3A_876 = vector.broadcast %slice3A_875 : vector<1x128xf32> to vector<256x128xf32>
    %ge3A_877 = vector.broadcast %slice3A_848 : vector<256x1xf32> to vector<256x128xf32>
    %ge3A_878 = arith.cmpf oge, %ge3A_876, %ge3A_877 : vector<256x128xf32>
    %convert_element_type3A_879 = arith.extui %ge3A_878 : vector<256x128xi1> to vector<256x128xi32>
    %add3A_880 = arith.addi %add3A_874, %convert_element_type3A_879 : vector<256x128xi32>
    %slice3A_881 = vector.extract_strided_slice %broadcast_in_dim3A_30 {offsets = [0, 640], sizes = [1, 128], strides = [1, 1]} : vector<1x2048xf32> to vector<1x128xf32>
    %ge3A_882 = vector.broadcast %slice3A_881 : vector<1x128xf32> to vector<256x128xf32>
    %ge3A_883 = vector.broadcast %slice3A_848 : vector<256x1xf32> to vector<256x128xf32>
    %ge3A_884 = arith.cmpf oge, %ge3A_882, %ge3A_883 : vector<256x128xf32>
    %convert_element_type3A_885 = arith.extui %ge3A_884 : vector<256x128xi1> to vector<256x128xi32>
    %add3A_886 = arith.addi %add3A_880, %convert_element_type3A_885 : vector<256x128xi32>
    %slice3A_887 = vector.extract_strided_slice %broadcast_in_dim3A_30 {offsets = [0, 768], sizes = [1, 128], strides = [1, 1]} : vector<1x2048xf32> to vector<1x128xf32>
    %ge3A_888 = vector.broadcast %slice3A_887 : vector<1x128xf32> to vector<256x128xf32>
    %ge3A_889 = vector.broadcast %slice3A_848 : vector<256x1xf32> to vector<256x128xf32>
    %ge3A_890 = arith.cmpf oge, %ge3A_888, %ge3A_889 : vector<256x128xf32>
    %convert_element_type3A_891 = arith.extui %ge3A_890 : vector<256x128xi1> to vector<256x128xi32>
    %add3A_892 = arith.addi %add3A_886, %convert_element_type3A_891 : vector<256x128xi32>
    %slice3A_893 = vector.extract_strided_slice %broadcast_in_dim3A_30 {offsets = [0, 896], sizes = [1, 128], strides = [1, 1]} : vector<1x2048xf32> to vector<1x128xf32>
    %ge3A_894 = vector.broadcast %slice3A_893 : vector<1x128xf32> to vector<256x128xf32>
    %ge3A_895 = vector.broadcast %slice3A_848 : vector<256x1xf32> to vector<256x128xf32>
    %ge3A_896 = arith.cmpf oge, %ge3A_894, %ge3A_895 : vector<256x128xf32>
    %convert_element_type3A_897 = arith.extui %ge3A_896 : vector<256x128xi1> to vector<256x128xi32>
    %add3A_898 = arith.addi %add3A_892, %convert_element_type3A_897 : vector<256x128xi32>
    %slice3A_899 = vector.extract_strided_slice %broadcast_in_dim3A_30 {offsets = [0, 1024], sizes = [1, 128], strides = [1, 1]} : vector<1x2048xf32> to vector<1x128xf32>
    %ge3A_900 = vector.broadcast %slice3A_899 : vector<1x128xf32> to vector<256x128xf32>
    %ge3A_901 = vector.broadcast %slice3A_848 : vector<256x1xf32> to vector<256x128xf32>
    %ge3A_902 = arith.cmpf oge, %ge3A_900, %ge3A_901 : vector<256x128xf32>
    %convert_element_type3A_903 = arith.extui %ge3A_902 : vector<256x128xi1> to vector<256x128xi32>
    %add3A_904 = arith.addi %add3A_898, %convert_element_type3A_903 : vector<256x128xi32>
    %slice3A_905 = vector.extract_strided_slice %broadcast_in_dim3A_30 {offsets = [0, 1152], sizes = [1, 128], strides = [1, 1]} : vector<1x2048xf32> to vector<1x128xf32>
    %ge3A_906 = vector.broadcast %slice3A_905 : vector<1x128xf32> to vector<256x128xf32>
    %ge3A_907 = vector.broadcast %slice3A_848 : vector<256x1xf32> to vector<256x128xf32>
    %ge3A_908 = arith.cmpf oge, %ge3A_906, %ge3A_907 : vector<256x128xf32>
    %convert_element_type3A_909 = arith.extui %ge3A_908 : vector<256x128xi1> to vector<256x128xi32>
    %add3A_910 = arith.addi %add3A_904, %convert_element_type3A_909 : vector<256x128xi32>
    %slice3A_911 = vector.extract_strided_slice %broadcast_in_dim3A_30 {offsets = [0, 1280], sizes = [1, 128], strides = [1, 1]} : vector<1x2048xf32> to vector<1x128xf32>
    %ge3A_912 = vector.broadcast %slice3A_911 : vector<1x128xf32> to vector<256x128xf32>
    %ge3A_913 = vector.broadcast %slice3A_848 : vector<256x1xf32> to vector<256x128xf32>
    %ge3A_914 = arith.cmpf oge, %ge3A_912, %ge3A_913 : vector<256x128xf32>
    %convert_element_type3A_915 = arith.extui %ge3A_914 : vector<256x128xi1> to vector<256x128xi32>
    %add3A_916 = arith.addi %add3A_910, %convert_element_type3A_915 : vector<256x128xi32>
    %slice3A_917 = vector.extract_strided_slice %broadcast_in_dim3A_30 {offsets = [0, 1408], sizes = [1, 128], strides = [1, 1]} : vector<1x2048xf32> to vector<1x128xf32>
    %ge3A_918 = vector.broadcast %slice3A_917 : vector<1x128xf32> to vector<256x128xf32>
    %ge3A_919 = vector.broadcast %slice3A_848 : vector<256x1xf32> to vector<256x128xf32>
    %ge3A_920 = arith.cmpf oge, %ge3A_918, %ge3A_919 : vector<256x128xf32>
    %convert_element_type3A_921 = arith.extui %ge3A_920 : vector<256x128xi1> to vector<256x128xi32>
    %add3A_922 = arith.addi %add3A_916, %convert_element_type3A_921 : vector<256x128xi32>
    %slice3A_923 = vector.extract_strided_slice %broadcast_in_dim3A_30 {offsets = [0, 1536], sizes = [1, 128], strides = [1, 1]} : vector<1x2048xf32> to vector<1x128xf32>
    %gt3A_924 = vector.broadcast %slice3A_923 : vector<1x128xf32> to vector<256x128xf32>
    %gt3A_925 = vector.broadcast %slice3A_848 : vector<256x1xf32> to vector<256x128xf32>
    %gt3A_926 = arith.cmpf ogt, %gt3A_924, %gt3A_925 : vector<256x128xf32>
    %eq3A_927 = vector.broadcast %slice3A_923 : vector<1x128xf32> to vector<256x128xf32>
    %eq3A_928 = vector.broadcast %slice3A_848 : vector<256x1xf32> to vector<256x128xf32>
    %eq3A_929 = arith.cmpf oeq, %eq3A_927, %eq3A_928 : vector<256x128xf32>
    %and3A_930 = arith.andi %eq3A_929, %lt3A : vector<256x128xi1>
    %or3A_931 = arith.ori %gt3A_926, %and3A_930 : vector<256x128xi1>
    %convert_element_type3A_932 = arith.extui %or3A_931 : vector<256x128xi1> to vector<256x128xi32>
    %add3A_933 = arith.addi %add3A_922, %convert_element_type3A_932 : vector<256x128xi32>
    %slice3A_934 = vector.extract_strided_slice %broadcast_in_dim3A_30 {offsets = [0, 1664], sizes = [1, 128], strides = [1, 1]} : vector<1x2048xf32> to vector<1x128xf32>
    %gt3A_935 = vector.broadcast %slice3A_934 : vector<1x128xf32> to vector<256x128xf32>
    %gt3A_936 = vector.broadcast %slice3A_848 : vector<256x1xf32> to vector<256x128xf32>
    %gt3A_937 = arith.cmpf ogt, %gt3A_935, %gt3A_936 : vector<256x128xf32>
    %eq3A_938 = vector.broadcast %slice3A_934 : vector<1x128xf32> to vector<256x128xf32>
    %eq3A_939 = vector.broadcast %slice3A_848 : vector<256x1xf32> to vector<256x128xf32>
    %eq3A_940 = arith.cmpf oeq, %eq3A_938, %eq3A_939 : vector<256x128xf32>
    %and3A_941 = arith.andi %eq3A_940, %lt3A_42 : vector<256x128xi1>
    %or3A_942 = arith.ori %gt3A_937, %and3A_941 : vector<256x128xi1>
    %convert_element_type3A_943 = arith.extui %or3A_942 : vector<256x128xi1> to vector<256x128xi32>
    %add3A_944 = arith.addi %add3A_933, %convert_element_type3A_943 : vector<256x128xi32>
    %slice3A_945 = vector.extract_strided_slice %broadcast_in_dim3A_30 {offsets = [0, 1792], sizes = [1, 128], strides = [1, 1]} : vector<1x2048xf32> to vector<1x128xf32>
    %gt3A_946 = vector.broadcast %slice3A_945 : vector<1x128xf32> to vector<256x128xf32>
    %gt3A_947 = vector.broadcast %slice3A_848 : vector<256x1xf32> to vector<256x128xf32>
    %gt3A_948 = arith.cmpf ogt, %gt3A_946, %gt3A_947 : vector<256x128xf32>
    %convert_element_type3A_949 = arith.extui %gt3A_948 : vector<256x128xi1> to vector<256x128xi32>
    %add3A_950 = arith.addi %add3A_944, %convert_element_type3A_949 : vector<256x128xi32>
    %slice3A_951 = vector.extract_strided_slice %broadcast_in_dim3A_30 {offsets = [0, 1920], sizes = [1, 128], strides = [1, 1]} : vector<1x2048xf32> to vector<1x128xf32>
    %gt3A_952 = vector.broadcast %slice3A_951 : vector<1x128xf32> to vector<256x128xf32>
    %gt3A_953 = vector.broadcast %slice3A_848 : vector<256x1xf32> to vector<256x128xf32>
    %gt3A_954 = arith.cmpf ogt, %gt3A_952, %gt3A_953 : vector<256x128xf32>
    %convert_element_type3A_955 = arith.extui %gt3A_954 : vector<256x128xi1> to vector<256x128xi32>
    %add3A_956 = arith.addi %add3A_950, %convert_element_type3A_955 : vector<256x128xi32>
    %reduce_sum3A_957 = arith.constant dense<0> : vector<256xi32>
    %reduce_sum3A_958 = vector.multi_reduction <add>, %add3A_956, %reduce_sum3A_957 [1] : vector<256x128xi32> to vector<256xi32>
    %broadcast_in_dim3A_959 = vector.shape_cast %reduce_sum3A_958 : vector<256xi32> to vector<256x1xi32>
    %eq3A_960 = vector.broadcast %broadcast_in_dim3A_959 : vector<256x1xi32> to vector<256x256xi32>
    %eq3A_961 = arith.cmpi eq, %eq3A_960, %iota3A_43 : vector<256x256xi32>
    %add3A_962 = arith.constant 1536 : i32
    %add3A_963 = vector.broadcast %add3A_962 : i32 to vector<256x256xi32>
    %add3A_964 = arith.addi %add3A_963, %iota3A_44 : vector<256x256xi32>
    %jit3A_965 = arith.constant 0 : i32
    %broadcast_in_dim3A_966 = vector.broadcast %jit3A_965 : i32 to vector<256x256xi32>
    %select_n3A_967 = arith.select %eq3A_961, %add3A_964, %broadcast_in_dim3A_966 : vector<256x256xi1>, vector<256x256xi32>
    %reduce_sum3A_968 = arith.constant dense<0> : vector<256xi32>
    %reduce_sum3A_969 = vector.multi_reduction <add>, %select_n3A_967, %reduce_sum3A_968 [0] : vector<256x256xi32> to vector<256xi32>
    %broadcast_in_dim3A_970 = vector.shape_cast %reduce_sum3A_969 : vector<256xi32> to vector<1x256xi32>
    %add3A_971 = arith.addi %add3A_837, %broadcast_in_dim3A_970 : vector<1x256xi32>
    %slice3A_972 = vector.extract_strided_slice %slice3A {offsets = [1536, 0], sizes = [256, 1], strides = [1, 1]} : vector<2048x1xf32> to vector<256x1xf32>
    %jit3A_973 = arith.constant 0.000000e+00 : f32
    %broadcast_in_dim3A_974 = vector.shape_cast %slice3A_972 : vector<256x1xf32> to vector<256x1xf32>
    %broadcast_in_dim3A_975 = vector.broadcast %broadcast_in_dim3A_974 : vector<256x1xf32> to vector<256x256xf32>
    %broadcast_in_dim3A_976 = vector.broadcast %jit3A_973 : f32 to vector<256x256xf32>
    %select_n3A_977 = arith.select %eq3A_961, %broadcast_in_dim3A_975, %broadcast_in_dim3A_976 : vector<256x256xi1>, vector<256x256xf32>
    %reduce_sum3A_978 = arith.constant dense<0.000000e+00> : vector<256xf32>
    %reduce_sum3A_979 = vector.multi_reduction <add>, %select_n3A_977, %reduce_sum3A_978 [0] : vector<256x256xf32> to vector<256xf32>
    %broadcast_in_dim3A_980 = vector.shape_cast %reduce_sum3A_979 : vector<256xf32> to vector<1x256xf32>
    %add3A_981 = arith.addf %add3A_847, %broadcast_in_dim3A_980 : vector<1x256xf32>
    %slice3A_982 = vector.extract_strided_slice %slice3A_34 {offsets = [1792, 0], sizes = [256, 1], strides = [1, 1]} : vector<2048x1xf32> to vector<256x1xf32>
    %broadcast_in_dim3A_983 = arith.constant 0 : i32
    %broadcast_in_dim3A_984 = vector.broadcast %broadcast_in_dim3A_983 : i32 to vector<256x128xi32>
    %slice3A_985 = vector.extract_strided_slice %broadcast_in_dim3A_30 {offsets = [0, 0], sizes = [1, 128], strides = [1, 1]} : vector<1x2048xf32> to vector<1x128xf32>
    %ge3A_986 = vector.broadcast %slice3A_985 : vector<1x128xf32> to vector<256x128xf32>
    %ge3A_987 = vector.broadcast %slice3A_982 : vector<256x1xf32> to vector<256x128xf32>
    %ge3A_988 = arith.cmpf oge, %ge3A_986, %ge3A_987 : vector<256x128xf32>
    %convert_element_type3A_989 = arith.extui %ge3A_988 : vector<256x128xi1> to vector<256x128xi32>
    %add3A_990 = arith.addi %broadcast_in_dim3A_984, %convert_element_type3A_989 : vector<256x128xi32>
    %slice3A_991 = vector.extract_strided_slice %broadcast_in_dim3A_30 {offsets = [0, 128], sizes = [1, 128], strides = [1, 1]} : vector<1x2048xf32> to vector<1x128xf32>
    %ge3A_992 = vector.broadcast %slice3A_991 : vector<1x128xf32> to vector<256x128xf32>
    %ge3A_993 = vector.broadcast %slice3A_982 : vector<256x1xf32> to vector<256x128xf32>
    %ge3A_994 = arith.cmpf oge, %ge3A_992, %ge3A_993 : vector<256x128xf32>
    %convert_element_type3A_995 = arith.extui %ge3A_994 : vector<256x128xi1> to vector<256x128xi32>
    %add3A_996 = arith.addi %add3A_990, %convert_element_type3A_995 : vector<256x128xi32>
    %slice3A_997 = vector.extract_strided_slice %broadcast_in_dim3A_30 {offsets = [0, 256], sizes = [1, 128], strides = [1, 1]} : vector<1x2048xf32> to vector<1x128xf32>
    %ge3A_998 = vector.broadcast %slice3A_997 : vector<1x128xf32> to vector<256x128xf32>
    %ge3A_999 = vector.broadcast %slice3A_982 : vector<256x1xf32> to vector<256x128xf32>
    %ge3A_1000 = arith.cmpf oge, %ge3A_998, %ge3A_999 : vector<256x128xf32>
    %convert_element_type3A_1001 = arith.extui %ge3A_1000 : vector<256x128xi1> to vector<256x128xi32>
    %add3A_1002 = arith.addi %add3A_996, %convert_element_type3A_1001 : vector<256x128xi32>
    %slice3A_1003 = vector.extract_strided_slice %broadcast_in_dim3A_30 {offsets = [0, 384], sizes = [1, 128], strides = [1, 1]} : vector<1x2048xf32> to vector<1x128xf32>
    %ge3A_1004 = vector.broadcast %slice3A_1003 : vector<1x128xf32> to vector<256x128xf32>
    %ge3A_1005 = vector.broadcast %slice3A_982 : vector<256x1xf32> to vector<256x128xf32>
    %ge3A_1006 = arith.cmpf oge, %ge3A_1004, %ge3A_1005 : vector<256x128xf32>
    %convert_element_type3A_1007 = arith.extui %ge3A_1006 : vector<256x128xi1> to vector<256x128xi32>
    %add3A_1008 = arith.addi %add3A_1002, %convert_element_type3A_1007 : vector<256x128xi32>
    %slice3A_1009 = vector.extract_strided_slice %broadcast_in_dim3A_30 {offsets = [0, 512], sizes = [1, 128], strides = [1, 1]} : vector<1x2048xf32> to vector<1x128xf32>
    %ge3A_1010 = vector.broadcast %slice3A_1009 : vector<1x128xf32> to vector<256x128xf32>
    %ge3A_1011 = vector.broadcast %slice3A_982 : vector<256x1xf32> to vector<256x128xf32>
    %ge3A_1012 = arith.cmpf oge, %ge3A_1010, %ge3A_1011 : vector<256x128xf32>
    %convert_element_type3A_1013 = arith.extui %ge3A_1012 : vector<256x128xi1> to vector<256x128xi32>
    %add3A_1014 = arith.addi %add3A_1008, %convert_element_type3A_1013 : vector<256x128xi32>
    %slice3A_1015 = vector.extract_strided_slice %broadcast_in_dim3A_30 {offsets = [0, 640], sizes = [1, 128], strides = [1, 1]} : vector<1x2048xf32> to vector<1x128xf32>
    %ge3A_1016 = vector.broadcast %slice3A_1015 : vector<1x128xf32> to vector<256x128xf32>
    %ge3A_1017 = vector.broadcast %slice3A_982 : vector<256x1xf32> to vector<256x128xf32>
    %ge3A_1018 = arith.cmpf oge, %ge3A_1016, %ge3A_1017 : vector<256x128xf32>
    %convert_element_type3A_1019 = arith.extui %ge3A_1018 : vector<256x128xi1> to vector<256x128xi32>
    %add3A_1020 = arith.addi %add3A_1014, %convert_element_type3A_1019 : vector<256x128xi32>
    %slice3A_1021 = vector.extract_strided_slice %broadcast_in_dim3A_30 {offsets = [0, 768], sizes = [1, 128], strides = [1, 1]} : vector<1x2048xf32> to vector<1x128xf32>
    %ge3A_1022 = vector.broadcast %slice3A_1021 : vector<1x128xf32> to vector<256x128xf32>
    %ge3A_1023 = vector.broadcast %slice3A_982 : vector<256x1xf32> to vector<256x128xf32>
    %ge3A_1024 = arith.cmpf oge, %ge3A_1022, %ge3A_1023 : vector<256x128xf32>
    %convert_element_type3A_1025 = arith.extui %ge3A_1024 : vector<256x128xi1> to vector<256x128xi32>
    %add3A_1026 = arith.addi %add3A_1020, %convert_element_type3A_1025 : vector<256x128xi32>
    %slice3A_1027 = vector.extract_strided_slice %broadcast_in_dim3A_30 {offsets = [0, 896], sizes = [1, 128], strides = [1, 1]} : vector<1x2048xf32> to vector<1x128xf32>
    %ge3A_1028 = vector.broadcast %slice3A_1027 : vector<1x128xf32> to vector<256x128xf32>
    %ge3A_1029 = vector.broadcast %slice3A_982 : vector<256x1xf32> to vector<256x128xf32>
    %ge3A_1030 = arith.cmpf oge, %ge3A_1028, %ge3A_1029 : vector<256x128xf32>
    %convert_element_type3A_1031 = arith.extui %ge3A_1030 : vector<256x128xi1> to vector<256x128xi32>
    %add3A_1032 = arith.addi %add3A_1026, %convert_element_type3A_1031 : vector<256x128xi32>
    %slice3A_1033 = vector.extract_strided_slice %broadcast_in_dim3A_30 {offsets = [0, 1024], sizes = [1, 128], strides = [1, 1]} : vector<1x2048xf32> to vector<1x128xf32>
    %ge3A_1034 = vector.broadcast %slice3A_1033 : vector<1x128xf32> to vector<256x128xf32>
    %ge3A_1035 = vector.broadcast %slice3A_982 : vector<256x1xf32> to vector<256x128xf32>
    %ge3A_1036 = arith.cmpf oge, %ge3A_1034, %ge3A_1035 : vector<256x128xf32>
    %convert_element_type3A_1037 = arith.extui %ge3A_1036 : vector<256x128xi1> to vector<256x128xi32>
    %add3A_1038 = arith.addi %add3A_1032, %convert_element_type3A_1037 : vector<256x128xi32>
    %slice3A_1039 = vector.extract_strided_slice %broadcast_in_dim3A_30 {offsets = [0, 1152], sizes = [1, 128], strides = [1, 1]} : vector<1x2048xf32> to vector<1x128xf32>
    %ge3A_1040 = vector.broadcast %slice3A_1039 : vector<1x128xf32> to vector<256x128xf32>
    %ge3A_1041 = vector.broadcast %slice3A_982 : vector<256x1xf32> to vector<256x128xf32>
    %ge3A_1042 = arith.cmpf oge, %ge3A_1040, %ge3A_1041 : vector<256x128xf32>
    %convert_element_type3A_1043 = arith.extui %ge3A_1042 : vector<256x128xi1> to vector<256x128xi32>
    %add3A_1044 = arith.addi %add3A_1038, %convert_element_type3A_1043 : vector<256x128xi32>
    %slice3A_1045 = vector.extract_strided_slice %broadcast_in_dim3A_30 {offsets = [0, 1280], sizes = [1, 128], strides = [1, 1]} : vector<1x2048xf32> to vector<1x128xf32>
    %ge3A_1046 = vector.broadcast %slice3A_1045 : vector<1x128xf32> to vector<256x128xf32>
    %ge3A_1047 = vector.broadcast %slice3A_982 : vector<256x1xf32> to vector<256x128xf32>
    %ge3A_1048 = arith.cmpf oge, %ge3A_1046, %ge3A_1047 : vector<256x128xf32>
    %convert_element_type3A_1049 = arith.extui %ge3A_1048 : vector<256x128xi1> to vector<256x128xi32>
    %add3A_1050 = arith.addi %add3A_1044, %convert_element_type3A_1049 : vector<256x128xi32>
    %slice3A_1051 = vector.extract_strided_slice %broadcast_in_dim3A_30 {offsets = [0, 1408], sizes = [1, 128], strides = [1, 1]} : vector<1x2048xf32> to vector<1x128xf32>
    %ge3A_1052 = vector.broadcast %slice3A_1051 : vector<1x128xf32> to vector<256x128xf32>
    %ge3A_1053 = vector.broadcast %slice3A_982 : vector<256x1xf32> to vector<256x128xf32>
    %ge3A_1054 = arith.cmpf oge, %ge3A_1052, %ge3A_1053 : vector<256x128xf32>
    %convert_element_type3A_1055 = arith.extui %ge3A_1054 : vector<256x128xi1> to vector<256x128xi32>
    %add3A_1056 = arith.addi %add3A_1050, %convert_element_type3A_1055 : vector<256x128xi32>
    %slice3A_1057 = vector.extract_strided_slice %broadcast_in_dim3A_30 {offsets = [0, 1536], sizes = [1, 128], strides = [1, 1]} : vector<1x2048xf32> to vector<1x128xf32>
    %ge3A_1058 = vector.broadcast %slice3A_1057 : vector<1x128xf32> to vector<256x128xf32>
    %ge3A_1059 = vector.broadcast %slice3A_982 : vector<256x1xf32> to vector<256x128xf32>
    %ge3A_1060 = arith.cmpf oge, %ge3A_1058, %ge3A_1059 : vector<256x128xf32>
    %convert_element_type3A_1061 = arith.extui %ge3A_1060 : vector<256x128xi1> to vector<256x128xi32>
    %add3A_1062 = arith.addi %add3A_1056, %convert_element_type3A_1061 : vector<256x128xi32>
    %slice3A_1063 = vector.extract_strided_slice %broadcast_in_dim3A_30 {offsets = [0, 1664], sizes = [1, 128], strides = [1, 1]} : vector<1x2048xf32> to vector<1x128xf32>
    %ge3A_1064 = vector.broadcast %slice3A_1063 : vector<1x128xf32> to vector<256x128xf32>
    %ge3A_1065 = vector.broadcast %slice3A_982 : vector<256x1xf32> to vector<256x128xf32>
    %ge3A_1066 = arith.cmpf oge, %ge3A_1064, %ge3A_1065 : vector<256x128xf32>
    %convert_element_type3A_1067 = arith.extui %ge3A_1066 : vector<256x128xi1> to vector<256x128xi32>
    %add3A_1068 = arith.addi %add3A_1062, %convert_element_type3A_1067 : vector<256x128xi32>
    %slice3A_1069 = vector.extract_strided_slice %broadcast_in_dim3A_30 {offsets = [0, 1792], sizes = [1, 128], strides = [1, 1]} : vector<1x2048xf32> to vector<1x128xf32>
    %gt3A_1070 = vector.broadcast %slice3A_1069 : vector<1x128xf32> to vector<256x128xf32>
    %gt3A_1071 = vector.broadcast %slice3A_982 : vector<256x1xf32> to vector<256x128xf32>
    %gt3A_1072 = arith.cmpf ogt, %gt3A_1070, %gt3A_1071 : vector<256x128xf32>
    %eq3A_1073 = vector.broadcast %slice3A_1069 : vector<1x128xf32> to vector<256x128xf32>
    %eq3A_1074 = vector.broadcast %slice3A_982 : vector<256x1xf32> to vector<256x128xf32>
    %eq3A_1075 = arith.cmpf oeq, %eq3A_1073, %eq3A_1074 : vector<256x128xf32>
    %and3A_1076 = arith.andi %eq3A_1075, %lt3A : vector<256x128xi1>
    %or3A_1077 = arith.ori %gt3A_1072, %and3A_1076 : vector<256x128xi1>
    %convert_element_type3A_1078 = arith.extui %or3A_1077 : vector<256x128xi1> to vector<256x128xi32>
    %add3A_1079 = arith.addi %add3A_1068, %convert_element_type3A_1078 : vector<256x128xi32>
    %slice3A_1080 = vector.extract_strided_slice %broadcast_in_dim3A_30 {offsets = [0, 1920], sizes = [1, 128], strides = [1, 1]} : vector<1x2048xf32> to vector<1x128xf32>
    %gt3A_1081 = vector.broadcast %slice3A_1080 : vector<1x128xf32> to vector<256x128xf32>
    %gt3A_1082 = vector.broadcast %slice3A_982 : vector<256x1xf32> to vector<256x128xf32>
    %gt3A_1083 = arith.cmpf ogt, %gt3A_1081, %gt3A_1082 : vector<256x128xf32>
    %eq3A_1084 = vector.broadcast %slice3A_1080 : vector<1x128xf32> to vector<256x128xf32>
    %eq3A_1085 = vector.broadcast %slice3A_982 : vector<256x1xf32> to vector<256x128xf32>
    %eq3A_1086 = arith.cmpf oeq, %eq3A_1084, %eq3A_1085 : vector<256x128xf32>
    %and3A_1087 = arith.andi %eq3A_1086, %lt3A_42 : vector<256x128xi1>
    %or3A_1088 = arith.ori %gt3A_1083, %and3A_1087 : vector<256x128xi1>
    %convert_element_type3A_1089 = arith.extui %or3A_1088 : vector<256x128xi1> to vector<256x128xi32>
    %add3A_1090 = arith.addi %add3A_1079, %convert_element_type3A_1089 : vector<256x128xi32>
    %reduce_sum3A_1091 = arith.constant dense<0> : vector<256xi32>
    %reduce_sum3A_1092 = vector.multi_reduction <add>, %add3A_1090, %reduce_sum3A_1091 [1] : vector<256x128xi32> to vector<256xi32>
    %broadcast_in_dim3A_1093 = vector.shape_cast %reduce_sum3A_1092 : vector<256xi32> to vector<256x1xi32>
    %eq3A_1094 = vector.broadcast %broadcast_in_dim3A_1093 : vector<256x1xi32> to vector<256x256xi32>
    %eq3A_1095 = arith.cmpi eq, %eq3A_1094, %iota3A_43 : vector<256x256xi32>
    %add3A_1096 = arith.constant 1792 : i32
    %add3A_1097 = vector.broadcast %add3A_1096 : i32 to vector<256x256xi32>
    %add3A_1098 = arith.addi %add3A_1097, %iota3A_44 : vector<256x256xi32>
    %jit3A_1099 = arith.constant 0 : i32
    %broadcast_in_dim3A_1100 = vector.broadcast %jit3A_1099 : i32 to vector<256x256xi32>
    %select_n3A_1101 = arith.select %eq3A_1095, %add3A_1098, %broadcast_in_dim3A_1100 : vector<256x256xi1>, vector<256x256xi32>
    %reduce_sum3A_1102 = arith.constant dense<0> : vector<256xi32>
    %reduce_sum3A_1103 = vector.multi_reduction <add>, %select_n3A_1101, %reduce_sum3A_1102 [0] : vector<256x256xi32> to vector<256xi32>
    %broadcast_in_dim3A_1104 = vector.shape_cast %reduce_sum3A_1103 : vector<256xi32> to vector<1x256xi32>
    %add3A_1105 = arith.addi %add3A_971, %broadcast_in_dim3A_1104 : vector<1x256xi32>
    %slice3A_1106 = vector.extract_strided_slice %slice3A {offsets = [1792, 0], sizes = [256, 1], strides = [1, 1]} : vector<2048x1xf32> to vector<256x1xf32>
    %jit3A_1107 = arith.constant 0.000000e+00 : f32
    %broadcast_in_dim3A_1108 = vector.shape_cast %slice3A_1106 : vector<256x1xf32> to vector<256x1xf32>
    %broadcast_in_dim3A_1109 = vector.broadcast %broadcast_in_dim3A_1108 : vector<256x1xf32> to vector<256x256xf32>
    %broadcast_in_dim3A_1110 = vector.broadcast %jit3A_1107 : f32 to vector<256x256xf32>
    %select_n3A_1111 = arith.select %eq3A_1095, %broadcast_in_dim3A_1109, %broadcast_in_dim3A_1110 : vector<256x256xi1>, vector<256x256xf32>
    %reduce_sum3A_1112 = arith.constant dense<0.000000e+00> : vector<256xf32>
    %reduce_sum3A_1113 = vector.multi_reduction <add>, %select_n3A_1111, %reduce_sum3A_1112 [0] : vector<256x256xf32> to vector<256xf32>
    %broadcast_in_dim3A_1114 = vector.shape_cast %reduce_sum3A_1113 : vector<256xf32> to vector<1x256xf32>
    %add3A_1115 = arith.addf %add3A_981, %broadcast_in_dim3A_1114 : vector<1x256xf32>
    %mul3A = arith.constant 2048 : i32
    %mul3A_1116 = arith.muli %add3A_0, %mul3A : i32
    %add3A_1117 = vector.broadcast %mul3A_1116 : i32 to vector<1x256xi32>
    %add3A_1118 = arith.addi %add3A_1105, %add3A_1117 : vector<1x256xi32>
    %reshape3A = vector.shape_cast %add3A_1118 : vector<1x256xi32> to vector<1x1x256xi32>
    %swap3A = arith.constant 0 : index
    %swap3A_1119 = arith.constant 0 : index
    %swap3A_1120 = arith.constant 0 : index
    %swap3A_1121 = vector.load %arg4[%swap3A, %swap3A_1119, %swap3A_1120] : memref<1x1x256xi32, #tpu.memory_space<vmem>>, vector<1x1x256xi32>
    tpu.vector_store %arg4[%swap3A, %swap3A_1119, %swap3A_1120], %reshape3A {strides = array<i32>} : memref<1x1x256xi32, #tpu.memory_space<vmem>>, vector<1x1x256xi32>,
    %reshape3A_1122 = vector.shape_cast %add3A_1115 : vector<1x256xf32> to vector<1x1x256xf32>
    %swap3A_1123 = arith.constant 0 : index
    %swap3A_1124 = arith.constant 0 : index
    %swap3A_1125 = arith.constant 0 : index
    %swap3A_1126 = vector.load %arg5[%swap3A_1123, %swap3A_1124, %swap3A_1125] : memref<1x1x256xf32, #tpu.memory_space<vmem>>, vector<1x1x256xf32>
    tpu.vector_store %arg5[%swap3A_1123, %swap3A_1124, %swap3A_1125], %reshape3A_1122 {strides = array<i32>} : memref<1x1x256xf32, #tpu.memory_space<vmem>>, vector<1x1x256xf32>,
    return
  }
  func.func @transform_0(%arg0: i32) -> (i32, i32, i32) {
    %add3A = arith.constant 0 : i32
    %add3A_0 = arith.addi %arg0, %add3A : i32
    %c0_i32 = arith.constant 0 : i32
    %c0_i32_1 = arith.constant 0 : i32
    %c0_i32_2 = arith.constant 0 : i32
    return %add3A_0, %c0_i32, %c0_i32_1 : i32, i32, i32
  }
  func.func @transform_1(%arg0: i32) -> (i32, i32, i32) {
    %add3A = arith.constant 0 : i32
    %add3A_0 = arith.addi %arg0, %add3A : i32
    %c0_i32 = arith.constant 0 : i32
    %c0_i32_1 = arith.constant 0 : i32
    %c0_i32_2 = arith.constant 0 : i32
    return %add3A_0, %c0_i32, %c0_i32_1 : i32, i32, i32
  }
  func.func @transform_2(%arg0: i32) -> (i32, i32, i32) {
    %add3A = arith.constant 0 : i32
    %add3A_0 = arith.addi %arg0, %add3A : i32
    %c0_i32 = arith.constant 0 : i32
    %c0_i32_1 = arith.constant 0 : i32
    %c0_i32_2 = arith.constant 0 : i32
    return %add3A_0, %c0_i32, %c0_i32_1 : i32, i32, i32
  }
  func.func @transform_3(%arg0: i32) -> (i32, i32, i32) {
    %c0_i32 = arith.constant 0 : i32
    %c0_i32_0 = arith.constant 0 : i32
    %c0_i32_1 = arith.constant 0 : i32
    return %arg0, %c0_i32, %c0_i32_0 : i32, i32, i32
  }
  func.func @transform_4(%arg0: i32) -> (i32, i32, i32) {
    %c0_i32 = arith.constant 0 : i32
    %c0_i32_0 = arith.constant 0 : i32
    %c0_i32_1 = arith.constant 0 : i32
    return %arg0, %c0_i32, %c0_i32_0 : i32, i32, i32
  }
}

</mosaic_0001>

<sc_bundles>
// kernel: kernel.4.cloned.1.call-start
scs
__scs_entry_jumppad:
0x0: {  	(pc) =	sbr.rel $0x88, $3  }
0x1: {  	(tag) =	ssettag $0x0;
	lr =	simm.s32 $0x1  }
0x2: {  	[smem:$0x3F9E] =	sst lr;
	_ =	strace $0xD0000000  }
0x3: {  	_ = 	snop  }
0x4: {  	_ = 	snop  }
0x5: {  	_ = 	snop  }
0x6: {  	_ = 	snop  }
0x7: {  	_ = 	snop  }
__scs_overlays_trampoline_lowered:
0x8: {  	[smem:$0x3FAD] =	sst s0  }
0x9: {  	[smem:$0x3FAE] =	sst s1  }
0xa: {  	[smem:$0x3FAF] =	sst s2  }
0xb: {  	[smem:$0x3FB0] =	sst s3  }
0xc: {  	[smem:$0x3FB1] =	sst s4  }
0xd: {  	[smem:$0x3FB2] =	sst s5  }
0xe: {  	[smem:$0x3FB3] =	sst s6  }
0xf: {  	[smem:$0x3FB4] =	sst s7  }
0x10: {  	[smem:$0x3FB5] =	sst s8  }
0x11: {  	[smem:$0x3FB6] =	sst s9;
	s0 =	simm.s32 @!p0 $0x0  }
0x12: {  	s1 =	sld [smem:$0x3F9C];
	s0 =	simm.s32 @p0 $0x1  }
0x13: {  	[smem:$0x3FB7] =	sst s0;
	s0 =	simm.s32 @!p1 $0x0  }
0x14: {  	s2 =	sld [smem:$0x3F9B];
	s0 =	simm.s32 @p1 $0x1  }
0x15: {  	[smem:$0x3FB8] =	sst s0;
	s0 =	simm.s32 @!p2 $0x0  }
0x16: {  	s3 =	sld [smem:$0x3FDB];
	s0 =	simm.s32 @p2 $0x1  }
0x17: {  	s4 =	simm.s32 $0x1BF5;
	[smem:$0x3FBA] =	sst s0  }
0x18: {  	s0 =	sld [smem:$0x3F9D];
	_ =	swait.ge [sflag:s4], $0x0  }
0x19: {  	s7 =	sld [smem:$0x3F9E]  }
0x1a: {  	s8 =	sadd.s32 $0xFFFFE003, lr  }
0x1b: {  	s9 =	sadd.s32 $0xFFFFFEF7, lr;
	s5 =	simm.s32 $0xFFFFFFFF;
	p2 =	slt.u32 s8, $0xFFFFF086  }
0x1c: {  	p1 =	slt.u32 s9, $0xF7A;
	s5 =	simm.s32 @!p2 $0x0  }
0x1d: {  	s5 =	simm.s32 @p1 $0x1;
	p0 =	seq.s32 s7, s2  }
0x1e: {  	s7 =	smul.u32 @!p0 $0xF7A, s2;
	p2 =	seq.s32 @!p0 s5, $0x0  }
0x1f: {  	s9 =	smul.u32 $0xF7A, s1;
	s8 =	simm.s32 @!p0 $0x1BF5;
	p2 =	por !p2, p0  }
0x20: {  	[sflag:s8] =	ssyncset.s32 @!p0 $0xFFFFF086;
	s6 =	sadd.s32 @!p0 s3, s7;
	s7 =	simm.s32 @!p0 $0x108  }
0x21: {  	s3 =	sadd.s32 s3, s9;
	s6 =	sadd.s32 @!p0 $0x88, s6;
	s7 =	simm.s32 @p2 $0x1082  }
0x22: {  	[simem:s7], [sflag:s8] =	dma.local @!p0 [hbm:s6], $0xF7A  }
0x23: {  	s9 =	sor.u32 $0xD0000000, s2;
	s6 =	simm.s32 $0x108;
	_ =	swait.ge @!p0 [sflag:s8], $0x0  }
0x24: {  	s3 =	sadd.s32 $0x88, s3;
	s6 =	simm.s32 @!p1 $0x1082;
	[sflag:s4] =	ssyncset.s32 $0xFFFFF086  }
0x25: {  	[simem:s6], [sflag:s4] =	dma.local [hbm:s3], $0xF7A  }
0x26: {  	[smem:$0x3F9E] =	sst s1;
	(tag) =	ssettag s2;
	_ =	strace s9  }
0x27: {  	s1 =	sld [smem:$0x3FAE]  }
0x28: {  	s2 =	sld [smem:$0x3FAF]  }
0x29: {  	s4 =	sld [smem:$0x3FB1]  }
0x2a: {  	p0 =	seq.s32 s5, $0x0;
	s5 =	sld [smem:$0x3FB2]  }
0x2b: {  	s6 =	sld [smem:$0x3FB3]  }
0x2c: {  	s7 =	sld [smem:$0x3FB4]  }
0x2d: {  	s3 =	simm.s32 $0x108;
	s8 =	sld [smem:$0x3FB5]  }
0x2e: {  	s3 =	simm.s32 @!p0 $0x1082;
	s9 =	sld [smem:$0x3FB6]  }
0x2f: {  	lr =	sadd.s32 s0, s3;
	s0 =	sld [smem:$0x3FAD]  }
0x30: {  	s3 =	sld [smem:$0x3FB0]  }
0x31: {  	[smem:$0x3FB9] =	sst s10  }
0x32: {  	s10 =	sld [smem:$0x3FB7];
	_ =	sdelay $0x3  }
0x33: {  	p0 =	seq.s32 s10, $0x1;
	s10 =	sld [smem:$0x3FB9];
	_ =	sdelay $0x3  }
0x34: {  	[smem:$0x3FB9] =	sst s10  }
0x35: {  	s10 =	sld [smem:$0x3FB8];
	_ =	sdelay $0x3  }
0x36: {  	p1 =	seq.s32 s10, $0x1;
	s10 =	sld [smem:$0x3FB9];
	_ =	sdelay $0x3  }
0x37: {  	[smem:$0x3FB9] =	sst s10  }
0x38: {  	s10 =	sld [smem:$0x3FBA]  }
0x39: {  	_ = 	snop;
	(pc) =	sbr.ind lr, $3  }
0x3a: {  	_ = 	snop  }
0x3b: {  	_ = 	snop  }
0x3c: {  	p2 =	seq.s32 s10, $0x1;
	s10 =	sld [smem:$0x3FB9]  }
0x3d: {  	_ =	shalt  }
0x3e: {  	_ =	shalt  }
0x3f: {  	_ =	shalt  }
0x40: {  	_ =	shalt  }
0x41: {  	_ =	shalt  }
0x42: {  	_ =	shalt  }
0x43: {  	_ =	shalt  }
0x44: {  	_ =	shalt  }
0x45: {  	_ =	shalt  }
0x46: {  	_ =	shalt  }
0x47: {  	_ =	shalt  }
0x48: {  	_ =	shalt  }
0x49: {  	_ =	shalt  }
0x4a: {  	_ =	shalt  }
0x4b: {  	_ =	shalt  }
0x4c: {  	_ =	shalt  }
0x4d: {  	_ =	shalt  }
0x4e: {  	_ =	shalt  }
0x4f: {  	_ =	shalt  }
0x50: {  	_ =	shalt  }
0x51: {  	_ =	shalt  }
0x52: {  	_ =	shalt  }
0x53: {  	_ =	shalt  }
0x54: {  	_ =	shalt  }
0x55: {  	_ =	shalt  }
0x56: {  	_ =	shalt  }
0x57: {  	_ =	shalt  }
0x58: {  	_ =	shalt  }
0x59: {  	_ =	shalt  }
0x5a: {  	_ =	shalt  }
0x5b: {  	_ =	shalt  }
0x5c: {  	_ =	shalt  }
0x5d: {  	_ =	shalt  }
0x5e: {  	_ =	shalt  }
0x5f: {  	_ =	shalt  }
0x60: {  	_ =	shalt  }
0x61: {  	_ =	shalt  }
0x62: {  	_ =	shalt  }
0x63: {  	_ =	shalt  }
0x64: {  	_ =	shalt  }
0x65: {  	_ =	shalt  }
0x66: {  	_ =	shalt  }
0x67: {  	_ =	shalt  }
0x68: {  	_ =	shalt  }
0x69: {  	_ =	shalt  }
0x6a: {  	_ =	shalt  }
0x6b: {  	_ =	shalt  }
0x6c: {  	_ =	shalt  }
0x6d: {  	_ =	shalt  }
0x6e: {  	_ =	shalt  }
0x6f: {  	_ =	shalt  }
0x70: {  	_ =	shalt  }
0x71: {  	_ =	shalt  }
0x72: {  	_ =	shalt  }
0x73: {  	_ =	shalt  }
0x74: {  	_ =	shalt  }
0x75: {  	_ =	shalt  }
0x76: {  	_ =	shalt  }
0x77: {  	_ =	shalt  }
0x78: {  	_ =	shalt  }
0x79: {  	_ =	shalt  }
0x7a: {  	_ =	shalt  }
0x7b: {  	_ =	shalt  }
0x7c: {  	_ =	shalt  }
0x7d: {  	_ =	shalt  }
0x7e: {  	_ =	shalt  }
0x7f: {  	_ =	shalt  }
0x80: {  	_ =	shalt  }
0x81: {  	_ =	shalt  }
0x82: {  	_ =	shalt  }
0x83: {  	_ =	shalt  }
0x84: {  	_ =	shalt  }
0x85: {  	_ =	shalt  }
0x86: {  	_ =	shalt  }
0x87: {  	_ =	shalt  }
.Lfunc_end0:
.L_simem_size_0:
called_computation_lowered:
.L_overlay_start_0:
0x88: {  	s2 =	sld [smem:$0x3FD9]  }
0x89: {  	s3 =	sld [smem:$0x3FFE];
	_ =	sdelay $0x1  }
0x8a: {  	s1 =	srdreg.scid  }
0x8b: {  	s0 =	sand.u32 $0x1, s1  }
0x8c: {  	s14 =	sshll.u32 s0, $0xA;
	s2 =	sadd.s32 s3, s2  }
0x8d: {  	s2 =	sadd.s32 s2, s14  }
0x8e: {  	[smem:$0x3FC5] =	sst s2  }
0x8f: {  	_ = 	snop  }
0x90: {  	s2 =	sld [smem:$0x3FD0];
	_ =	sdelay $0x2  }
0x91: {  	s4 =	simm.s32 $0xA;
	s5 =	simm.s32 $0x10;
	s15 =	sld [smem:$0x3FC8]  }
0x92: {  	[smem:s5], [sflag:s4] =	dma.local [hbm:s2], $0x1  }
0x93: {  	_ =	swait.eq [sflag:s4], $0x1  }
0x94: {  	[sflag:s4] =	ssyncset.done $0x0  }
0x95: {  	[sflag:s4] =	ssyncadd.s32 $0xFFFFFFFF  }
0x96: {  	s16 =	sld [smem:$0x10];
	(tm) =	ssettm $0x1  }
0x97: {  	s17 =	sld [smem:$0x3FFB];
	_ =	sdelay $0x3  }
0x98: {  	_ =	strace s17  }
0x99: {  	s4 =	sld [smem:$0x3FFC];
	_ =	sdelay $0x3  }
0x9a: {  	_ =	strace s4  }
0x9b: {  	s4 =	sld [smem:$0x3FFD];
	_ =	sdelay $0x3  }
0x9c: {  	_ =	strace s4  }
0x9d: {  	_ =	strace $0x8FFFFFFF  }
0x9e: {  	s18 =	sld [smem:$0x3FDB];
	_ =	sdelay $0x1  }
0x9f: {  	s19 =	simm.s32 $_scs_section_size  }
0xa0: {  	s6 =	simm.s32 $_size__tile_overlayer_lowered;
	s7 =	simm.s32 $_tile_overlayer_lowered  }
0xa1: {  	s22 =	simm.s32 $0x1BFF;
	s21 =	sshll.u32 s7, $0x1;
	s4 =	sadd.s32 s19, s18  }
0xa2: {  	s8 =	simm.s32 $0x0;
	s20 =	sshll.u32 s6, $0x1;
	s6 =	sadd.s32 s21, s4  }
0xa3: {  	[timem:s8], [sflag:s22] =	dma.local [hbm:s6], s20  }
0xa4: {  	_ =	swait.ge [sflag:s22], s20  }
0xa5: {  	s5 =	ssub.s32 $0x0, s20;
	[sflag:s22] =	ssyncset.done $0x0  }
0xa6: {  	[sflag:s22] =	ssyncadd.s32 s5;
	_ =	sdelay $0x1  }
0xa7: {  	s23 =	simm.s32 $0x1B8B  }
0xa8: {  	_ =	swait.ge [sflag:s23], $0x1  }
0xa9: {  	[sflag:s23] =	ssyncset.done $0x0  }
0xaa: {  	s25 =	simm.s32 $0x1B8E;
	s24 =	sld [smem:$0x3FFE];
	[sflag:s23] =	ssyncadd.s32 $0xFFFFFFFF  }
0xab: {  	s26 =	simm.s32 $execute0_lowered;
	[smem:$0x3FD2] =	sst s25  }
0xac: {  	s6 =	sshll.u32 s26, $0x1;
	_ =	strace $0x80000046;
	[dreg:$0x1] =	wrdreg $0xFFFFFFFF  }
0xad: {  	s28 =	simm.s32 $_size_execute0_lowered;
	s4 =	sadd.s32 s4, s6;
	[dreg:$0x0] =	wrdreg $0x0  }
0xae: {  	s6 =	sshll.u32 s28, $0x1;
	[dreg:$0x2] =	wrdreg s4  }
0xaf: {  	[dreg:$0x3] =	wrdreg s6  }
0xb0: {  	[dreg:$0x4] =	wrdreg $0xC0  }
0xb1: {  	_ =	task [dreg:s8], $0x5FFFF  }
0xb2: {  	[dreg:$0x1] =	wrdreg $0xFFFFFFFF  }
0xb3: {  	[dreg:$0x0] =	wrdreg $0x60  }
0xb4: {  	[dreg:$0x2] =	wrdreg s15  }
0xb5: {  	[dreg:$0x3] =	wrdreg s24  }
0xb6: {  	[dreg:$0x4] =	wrdreg s16  }
0xb7: {  	[dreg:$0x5] =	wrdreg $0x9  }
0xb8: {  	_ =	task.clear_ibuf [dreg:s8], $0x6FFFF;
	_ =	strace $0x90000046  }
0xb9: {  	s29 =	simm.s32 $0x9;
	_ =	strace $0x80000048  }
0xba: {  	_ =	swait.ge [sflag:s29], $0x1  }
0xbb: {  	[sflag:s29] =	ssyncadd.s32 $0xFFFFFFFF  }
0xbc: {  	_ =	strace $0x90000048  }
0xbd: {  	_ =	sfence  }
0xbe: {  	s30 =	sld [smem:$0x0];
	_ =	sdelay $0x2  }
0xbf: {  	s31 =	sshll.u32 s1, $0xD;
	s1 =	sshrl.u32 s1, $0x2  }
0xc0: {  	s3 =	sand.u32 $0x4000, s31;
	s1 =	sadd.s32 s1, s30  }
0xc1: {  	s0 =	sor.u32 s3, s0;
	s1 =	sshll.u32 s1, $0x11  }
0xc2: {  	s0 =	sor.u32 s1, s0  }
0xc3: {  	s0 =	sadd.s32 $0x8F2B, s0  }
0xc4: {  	[sflag:s0] =	ssyncadd.remote.s32 $0x1  }
0xc5: {  	_ =	sfence.sel $0xFFFF  }
0xc6: {  	[dreg:$0x0] =	wrdreg $0xFFFFFFFF;
	(pc) =	sbr.abs _section_cstart, $3  }
0xc7: {  	[dreg:$0x1] =	wrdreg $0xFFFFFFFF  }
0xc8: {  	_ =	task.clear_ibuf [dreg:s8], $0x2FFFF;
	_ =	strace $0x9FFFFFFF  }
0xc9: {  	(tm) =	ssettm $0x7FFFFFFF  }
tec
execute0_lowered:
.L_overlay_start_1:
0x0: {  	(tag) =	ssettag $0x1  }
0x1: {  	s1 =	rddreg [dreg:$0x0]  }
0x2: {  	s0 =	rddreg [dreg:$0x1]  }
0x3: {  	s4 =	rddreg [dreg:$0x2];
	s3 =	simm.s32 $0x0  }
0x4: {  	s20 =	simm.s32 $0x900;
	[smem:$0x7FF] =	sst s3  }
0x5: {  	s21 =	simm.s32 $0x1100;
	_ =	strace $0x80000047;
	[dreg:$0x8] =	wrdreg s20  }
0x6: {  	s22 =	simm.s32 $0x1900;
	[dreg:$0x9] =	wrdreg s21  }
0x7: {  	s23 =	simm.s32 $0x2100;
	[dreg:$0xa] =	wrdreg s22  }
0x8: {  	s24 =	simm.s32 $0x2900;
	[dreg:$0xb] =	wrdreg s23  }
0x9: {  	s25 =	simm.s32 $0x3100;
	[dreg:$0xc] =	wrdreg s24  }
0xa: {  	s2 =	stileid.u32;
	s26 =	simm.s32 $0x3900;
	[dreg:$0xd] =	wrdreg s25  }
0xb: {  	s6 =	sshll.u32 s2, $0x5;
	s2 =	simm.s32 $0x4100;
	[dreg:$0xe] =	wrdreg s26  }
0xc: {  	s9 =	simm.s32 $0x6900;
	[dreg:$0xf] =	wrdreg s2  }
0xd: {  	s5 =	srdreg.scid;
	s10 =	simm.s32 $0x7100;
	[dreg:$0x14] =	wrdreg s9  }
0xe: {  	s11 =	simm.s32 $0x7900;
	s12 =	simm.s32 $0x8100;
	[dreg:$0x15] =	wrdreg s10  }
0xf: {  	s13 =	simm.s32 $0x8900;
	s14 =	simm.s32 $0x9100;
	[dreg:$0x16] =	wrdreg s11  }
0x10: {  	s15 =	simm.s32 $0x9900;
	s16 =	simm.s32 $0xA100;
	[dreg:$0x17] =	wrdreg s12  }
0x11: {  	s28 =	simm.s32 $0x17100;
	s29 =	simm.s32 $0x17900;
	[dreg:$0x18] =	wrdreg s13  }
0x12: {  	s30 =	simm.s32 $0x1;
	s31 =	simm.s32 $0x2;
	[dreg:$0x19] =	wrdreg s14  }
0x13: {  	s5 =	sand.u32 $0x1, s5;
	s0 =	sadd.s32 $0x800, s0;
	[dreg:$0x1a] =	wrdreg s15  }
0x14: {  	s7 =	sshll.u32 s5, $0x4;
	[dreg:$0x1b] =	wrdreg s16;
	s21 =	simm.s32 $0xB900  }
0x15: {  	s22 =	simm.s32 $0x80;
	s23 =	simm.s32 $0xC900;
	[dreg:$0x1e] =	wrdreg s21  }
0x16: {  	s24 =	simm.s32 $0xD100;
	s25 =	simm.s32 $0xD900;
	[dreg:$0x1f] =	wrdreg s22  }
0x17: {  	s26 =	simm.s32 $0xE100;
	s9 =	simm.s32 $0xC100;
	[smem:$0x7FA] =	sst s23  }
0x18: {  	s12 =	simm.s32 $0xF900;
	s13 =	simm.s32 $0x10100;
	[smem:$0x7FB] =	sst s24  }
0x19: {  	s14 =	simm.s32 $0x10900;
	s15 =	simm.s32 $0x11100;
	[smem:$0x7FC] =	sst s25  }
0x1a: {  	s16 =	simm.s32 $0x11900;
	s6 =	sor.u32 s7, s6;
	[smem:$0x7FD] =	sst s26  }
0x1b: {  	s21 =	simm.s32 $0x14100;
	s22 =	simm.s32 $0x14900;
	s23 =	simm.s32 $0x15100  }
0x1c: {  	s24 =	simm.s32 $0x15900;
	s7 =	sadd.s32 s0, s6;
	s8 =	sor.u32 $0x8, s6  }
0x1d: {  	s25 =	simm.s32 $0x16100;
	[dreg:$0x4] =	wrdreg s7;
	s0 =	sadd.s32 s0, s8  }
0x1e: {  	s6 =	smul.u32 $0x300, s6;
	s7 =	simm.s32 $0x5900;
	[dreg:$0x5] =	wrdreg s0  }
0x1f: {  	s17 =	smul.u32 $0x300, s8;
	s8 =	simm.s32 $0x6100;
	[dreg:$0x12] =	wrdreg s7  }
0x20: {  	s26 =	simm.s32 $0x16900;
	s18 =	sadd.s32 s4, s6;
	[dreg:$0x13] =	wrdreg s8  }
0x21: {  	s6 =	simm.s32 $0x5100;
	s7 =	simm.s32 $0x4;
	[dreg:$0x6] =	wrdreg s18  }
0x22: {  	s8 =	simm.s32 $0x100;
	s19 =	sadd.s32 s4, s17;
	[dreg:$0x11] =	wrdreg s6  }
0x23: {  	s0 =	simm.s32 $0x3;
	s4 =	simm.s32 $0x4900;
	[dreg:$0x7] =	wrdreg s19  }
0x24: {  	s17 =	ssub.s32 $0x2, s5;
	s18 =	simm.s32 $0xA900;
	[dreg:$0x10] =	wrdreg s4  }
0x25: {  	s5 =	sshrl.u32 s17, $0x1;
	[dreg:$0x1c] =	wrdreg s18;
	s19 =	simm.s32 $0xB100  }
0x26: {  	v2 =	vlaneseq.u32;
	s4 =	sadd.s32 $0x100, s1;
	s18 =	simm.s32 $0x12900;
	s20 =	ssub.s32 s17, s5  }
0x27: {  	vm0 =	vmmov $0xffff;
	v1 =	vshrl.u32 v2, $0x3;
	[dreg:$0x1d] =	wrdreg s19;
	s5 =	sadd.s32 $0x200, s1;
	s17 =	simm.s32 $0x12100  }
0x28: {  	v0 =	vand.u32 $0x7, v2;
	v2 =	vor.u32 $0x8, v2;
	v1 =	vmul.u32 $0x8, v1;
	s19 =	simm.s32 $0x13100;
	s6 =	smax.u32 s20, $0x1;
	s20 =	simm.s32 $0x13900  }
.LBB2_1:
0x29: {  	s2 =	rddreg [dreg:$0x4]  }
0x2a: {  	[tilespmem:s3], [sflag:$0x4] =	stream.linear.gather [hbm4b:s2+s3], $0x40, $0x38;
	[tilespmem:$0x18100] =	vst v63  }
0x2b: {  	_ =	swait.ge [sflag:s7], $0x40  }
0x2c: {  	[sflag:s7] =	ssyncset.done $0x0  }
0x2d: {  	[sflag:s7] =	ssyncadd.s32 $0xFFFFFFC0  }
0x2e: {  	v3 =	vld [tilespmem:$0x0];
	_ =	sdelay $0x4  }
0x2f: {  	v4 =	vshrl.u32 v3, $0x3  }
0x30: {  	v4 =	vmul.u32 $0x30, v4  }
0x31: {  	v3 =	vand.u32 $0x7, v3  }
0x32: {  	v3 =	vor.u32 v3, v4  }
0x33: {  	v4 =	vperm.xlane v3, v0;
	_ =	sdelay $0x1  }
0x34: {  	v4 =	vadd.s32 v1, v4;
	_ =	sdelay $0x3  }
0x35: {  	v3 =	vperm.xlane v3, v2  }
0x36: {  	[tilespmem:s8], [sflag:$0x1] =	stream.indirect_vreg.gather [hbm4b:s1+s3], $0x80, v4, vm0, $0xb8;
	[tilespmem:$0x18100] =	vst v63  }
0x37: {  	s11 =	rddreg [dreg:$0x8];
	v3 =	vadd.s32 v1, v3  }
0x38: {  	[tilespmem:s11], [sflag:$0x1] =	stream.indirect_vreg.gather [hbm4b:s4+s3], $0x80, v4, vm0, $0xb8;
	[tilespmem:$0x18100] =	vst v63  }
0x39: {  	s10 =	rddreg [dreg:$0x9]  }
0x3a: {  	[tilespmem:s10], [sflag:$0x1] =	stream.indirect_vreg.gather [hbm4b:s5+s3], $0x80, v4, vm0, $0xb8;
	[tilespmem:$0x18100] =	vst v63  }
0x3b: {  	s11 =	rddreg [dreg:$0xa]  }
0x3c: {  	[tilespmem:s11], [sflag:$0x1] =	stream.indirect_vreg.gather [hbm4b:s1+s3], $0x80, v3, vm0, $0xb8;
	[tilespmem:$0x18100] =	vst v63  }
0x3d: {  	s10 =	rddreg [dreg:$0xb]  }
0x3e: {  	[tilespmem:s10], [sflag:$0x1] =	stream.indirect_vreg.gather [hbm4b:s4+s3], $0x80, v3, vm0, $0xb8;
	[tilespmem:$0x18100] =	vst v63  }
0x3f: {  	s11 =	rddreg [dreg:$0xc]  }
0x40: {  	[tilespmem:s11], [sflag:$0x1] =	stream.indirect_vreg.gather [hbm4b:s5+s3], $0x80, v3, vm0, $0xb8;
	[tilespmem:$0x18100] =	vst v63  }
0x41: {  	v3 =	vld [tilespmem:$0x10];
	_ =	sdelay $0x4  }
0x42: {  	v57 =	vshrl.u32 v3, $0x3  }
0x43: {  	v4 =	vmul.u32 $0x30, v57  }
0x44: {  	v3 =	vand.u32 $0x7, v3  }
0x45: {  	v3 =	vor.u32 v3, v4  }
0x46: {  	v4 =	vperm.xlane v3, v0;
	_ =	sdelay $0x1  }
0x47: {  	v4 =	vadd.s32 v1, v4;
	_ =	sdelay $0x3  }
0x48: {  	s10 =	rddreg [dreg:$0xd];
	v3 =	vperm.xlane v3, v2  }
0x49: {  	[tilespmem:s10], [sflag:$0x1] =	stream.indirect_vreg.gather [hbm4b:s1+s3], $0x80, v4, vm0, $0xb8;
	[tilespmem:$0x18100] =	vst v63  }
0x4a: {  	s11 =	rddreg [dreg:$0xe];
	v3 =	vadd.s32 v1, v3  }
0x4b: {  	[tilespmem:s11], [sflag:$0x1] =	stream.indirect_vreg.gather [hbm4b:s4+s3], $0x80, v4, vm0, $0xb8;
	[tilespmem:$0x18100] =	vst v63  }
0x4c: {  	s2 =	rddreg [dreg:$0xf]  }
0x4d: {  	[tilespmem:s2], [sflag:$0x1] =	stream.indirect_vreg.gather [hbm4b:s5+s3], $0x80, v4, vm0, $0xb8;
	[tilespmem:$0x18100] =	vst v63  }
0x4e: {  	s11 =	rddreg [dreg:$0x10]  }
0x4f: {  	[tilespmem:s11], [sflag:$0x1] =	stream.indirect_vreg.gather [hbm4b:s1+s3], $0x80, v3, vm0, $0xb8;
	[tilespmem:$0x18100] =	vst v63  }
0x50: {  	s2 =	rddreg [dreg:$0x11]  }
0x51: {  	[tilespmem:s2], [sflag:$0x1] =	stream.indirect_vreg.gather [hbm4b:s4+s3], $0x80, v3, vm0, $0xb8;
	[tilespmem:$0x18100] =	vst v63  }
0x52: {  	s11 =	rddreg [dreg:$0x12]  }
0x53: {  	[tilespmem:s11], [sflag:$0x1] =	stream.indirect_vreg.gather [hbm4b:s5+s3], $0x80, v3, vm0, $0xb8;
	[tilespmem:$0x18100] =	vst v63  }
0x54: {  	v3 =	vld [tilespmem:$0x20];
	_ =	sdelay $0x4  }
0x55: {  	v58 =	vshrl.u32 v3, $0x3  }
0x56: {  	v4 =	vmul.u32 $0x30, v58  }
0x57: {  	v3 =	vand.u32 $0x7, v3  }
0x58: {  	v3 =	vor.u32 v3, v4  }
0x59: {  	v4 =	vperm.xlane v3, v0;
	_ =	sdelay $0x1  }
0x5a: {  	v4 =	vadd.s32 v1, v4;
	_ =	sdelay $0x3  }
0x5b: {  	s10 =	rddreg [dreg:$0x13];
	v3 =	vperm.xlane v3, v2  }
0x5c: {  	[tilespmem:s10], [sflag:$0x1] =	stream.indirect_vreg.gather [hbm4b:s1+s3], $0x80, v4, vm0, $0xb8;
	[tilespmem:$0x18100] =	vst v63  }
0x5d: {  	s11 =	rddreg [dreg:$0x14];
	v3 =	vadd.s32 v1, v3  }
0x5e: {  	[tilespmem:s11], [sflag:$0x1] =	stream.indirect_vreg.gather [hbm4b:s4+s3], $0x80, v4, vm0, $0xb8;
	[tilespmem:$0x18100] =	vst v63  }
0x5f: {  	s2 =	rddreg [dreg:$0x15]  }
0x60: {  	[tilespmem:s2], [sflag:$0x1] =	stream.indirect_vreg.gather [hbm4b:s5+s3], $0x80, v4, vm0, $0xb8;
	[tilespmem:$0x18100] =	vst v63  }
0x61: {  	s11 =	rddreg [dreg:$0x16]  }
0x62: {  	[tilespmem:s11], [sflag:$0x1] =	stream.indirect_vreg.gather [hbm4b:s1+s3], $0x80, v3, vm0, $0xb8;
	[tilespmem:$0x18100] =	vst v63  }
0x63: {  	s2 =	rddreg [dreg:$0x17]  }
0x64: {  	[tilespmem:s2], [sflag:$0x1] =	stream.indirect_vreg.gather [hbm4b:s4+s3], $0x80, v3, vm0, $0xb8;
	[tilespmem:$0x18100] =	vst v63  }
0x65: {  	s11 =	rddreg [dreg:$0x18]  }
0x66: {  	[tilespmem:s11], [sflag:$0x1] =	stream.indirect_vreg.gather [hbm4b:s5+s3], $0x80, v3, vm0, $0xb8;
	[tilespmem:$0x18100] =	vst v63  }
0x67: {  	v3 =	vld [tilespmem:$0x30];
	_ =	sdelay $0x4  }
0x68: {  	v59 =	vshrl.u32 v3, $0x3  }
0x69: {  	v4 =	vmul.u32 $0x30, v59  }
0x6a: {  	v3 =	vand.u32 $0x7, v3  }
0x6b: {  	v3 =	vor.u32 v3, v4  }
0x6c: {  	v4 =	vperm.xlane v3, v0;
	_ =	sdelay $0x1  }
0x6d: {  	v4 =	vadd.s32 v1, v4;
	_ =	sdelay $0x2  }
0x6e: {  	s10 =	rddreg [dreg:$0x1a]  }
0x6f: {  	s11 =	rddreg [dreg:$0x19];
	v3 =	vperm.xlane v3, v2  }
0x70: {  	[tilespmem:s11], [sflag:$0x1] =	stream.indirect_vreg.gather [hbm4b:s1+s3], $0x80, v4, vm0, $0xb8;
	[tilespmem:$0x18100] =	vst v63  }
0x71: {  	s2 =	rddreg [dreg:$0x1e];
	v3 =	vadd.s32 v1, v3  }
0x72: {  	[tilespmem:s10], [sflag:$0x1] =	stream.indirect_vreg.gather [hbm4b:s4+s3], $0x80, v4, vm0, $0xb8;
	[tilespmem:$0x18100] =	vst v63  }
0x73: {  	s11 =	rddreg [dreg:$0x1b]  }
0x74: {  	[tilespmem:s11], [sflag:$0x1] =	stream.indirect_vreg.gather [hbm4b:s5+s3], $0x80, v4, vm0, $0xb8;
	[tilespmem:$0x18100] =	vst v63  }
0x75: {  	s10 =	rddreg [dreg:$0x1c]  }
0x76: {  	[tilespmem:s10], [sflag:$0x1] =	stream.indirect_vreg.gather [hbm4b:s1+s3], $0x80, v3, vm0, $0xb8;
	[tilespmem:$0x18100] =	vst v63  }
0x77: {  	s11 =	rddreg [dreg:$0x1d]  }
0x78: {  	[tilespmem:s11], [sflag:$0x1] =	stream.indirect_vreg.gather [hbm4b:s4+s3], $0x80, v3, vm0, $0xb8;
	[tilespmem:$0x18100] =	vst v63  }
0x79: {  	s10 =	rddreg [dreg:$0x5]  }
0x7a: {  	[tilespmem:s2], [sflag:$0x1] =	stream.indirect_vreg.gather [hbm4b:s5+s3], $0x80, v3, vm0, $0xb8;
	[tilespmem:$0x18100] =	vst v63  }
0x7b: {  	s11 =	rddreg [dreg:$0x1f]  }
0x7c: {  	[tilespmem:s11], [sflag:$0x4] =	stream.linear.gather [hbm4b:s10+s3], $0x40, $0x38;
	[tilespmem:$0x18100] =	vst v63  }
0x7d: {  	_ =	swait.ge [sflag:s7], $0x40  }
0x7e: {  	[sflag:s7] =	ssyncset.done $0x0  }
0x7f: {  	[sflag:s7] =	ssyncadd.s32 $0xFFFFFFC0  }
0x80: {  	v3 =	vld [tilespmem:$0x80];
	_ =	sdelay $0x4  }
0x81: {  	v60 =	vshrl.u32 v3, $0x3  }
0x82: {  	v4 =	vmul.u32 $0x30, v60  }
0x83: {  	v3 =	vand.u32 $0x7, v3  }
0x84: {  	v3 =	vor.u32 v3, v4  }
0x85: {  	v4 =	vperm.xlane v3, v0;
	_ =	sdelay $0x1  }
0x86: {  	v4 =	vadd.s32 v1, v4;
	_ =	sdelay $0x3  }
0x87: {  	s10 =	sld [smem:$0x7FA];
	v3 =	vperm.xlane v3, v2  }
0x88: {  	[tilespmem:s9], [sflag:$0x2] =	stream.indirect_vreg.gather [hbm4b:s1+s3], $0x80, v4, vm0, $0xb8;
	[tilespmem:$0x18100] =	vst v63  }
0x89: {  	s11 =	sld [smem:$0x7FB];
	v3 =	vadd.s32 v1, v3  }
0x8a: {  	[tilespmem:s10], [sflag:$0x2] =	stream.indirect_vreg.gather [hbm4b:s4+s3], $0x80, v4, vm0, $0xb8;
	[tilespmem:$0x18100] =	vst v63  }
0x8b: {  	s2 =	sld [smem:$0x7FC]  }
0x8c: {  	[tilespmem:s11], [sflag:$0x2] =	stream.indirect_vreg.gather [hbm4b:s5+s3], $0x80, v4, vm0, $0xb8;
	[tilespmem:$0x18100] =	vst v63  }
0x8d: {  	s11 =	sld [smem:$0x7FD]  }
0x8e: {  	[tilespmem:s2], [sflag:$0x2] =	stream.indirect_vreg.gather [hbm4b:s1+s3], $0x80, v3, vm0, $0xb8;
	[tilespmem:$0x18100] =	vst v63  }
0x8f: {  	_ = 	snop  }
0x90: {  	[tilespmem:s11], [sflag:$0x2] =	stream.indirect_vreg.gather [hbm4b:s4+s3], $0x80, v3, vm0, $0xb8;
	[tilespmem:$0x18100] =	vst v63  }
0x91: {  	s10 =	simm.s32 $0xE900  }
0x92: {  	[tilespmem:s10], [sflag:$0x2] =	stream.indirect_vreg.gather [hbm4b:s5+s3], $0x80, v3, vm0, $0xb8;
	[tilespmem:$0x18100] =	vst v63  }
0x93: {  	v3 =	vld [tilespmem:$0x90];
	_ =	sdelay $0x4  }
0x94: {  	v61 =	vshrl.u32 v3, $0x3  }
0x95: {  	v4 =	vmul.u32 $0x30, v61  }
0x96: {  	v3 =	vand.u32 $0x7, v3  }
0x97: {  	v3 =	vor.u32 v3, v4  }
0x98: {  	v4 =	vperm.xlane v3, v0;
	_ =	sdelay $0x1  }
0x99: {  	v4 =	vadd.s32 v1, v4;
	_ =	sdelay $0x3  }
0x9a: {  	s11 =	simm.s32 $0xF100;
	v3 =	vperm.xlane v3, v2  }
0x9b: {  	[tilespmem:s11], [sflag:$0x2] =	stream.indirect_vreg.gather [hbm4b:s1+s3], $0x80, v4, vm0, $0xb8;
	[tilespmem:$0x18100] =	vst v63  }
0x9c: {  	v3 =	vadd.s32 v1, v3  }
0x9d: {  	[tilespmem:s12], [sflag:$0x2] =	stream.indirect_vreg.gather [hbm4b:s4+s3], $0x80, v4, vm0, $0xb8;
	[tilespmem:$0x18100] =	vst v63  }
0x9e: {  	_ = 	snop  }
0x9f: {  	[tilespmem:s13], [sflag:$0x2] =	stream.indirect_vreg.gather [hbm4b:s5+s3], $0x80, v4, vm0, $0xb8;
	[tilespmem:$0x18100] =	vst v63  }
0xa0: {  	_ = 	snop  }
0xa1: {  	[tilespmem:s14], [sflag:$0x2] =	stream.indirect_vreg.gather [hbm4b:s1+s3], $0x80, v3, vm0, $0xb8;
	[tilespmem:$0x18100] =	vst v63  }
0xa2: {  	_ = 	snop  }
0xa3: {  	[tilespmem:s15], [sflag:$0x2] =	stream.indirect_vreg.gather [hbm4b:s4+s3], $0x80, v3, vm0, $0xb8;
	[tilespmem:$0x18100] =	vst v63  }
0xa4: {  	_ = 	snop  }
0xa5: {  	[tilespmem:s16], [sflag:$0x2] =	stream.indirect_vreg.gather [hbm4b:s5+s3], $0x80, v3, vm0, $0xb8;
	[tilespmem:$0x18100] =	vst v63  }
0xa6: {  	v3 =	vld [tilespmem:$0xA0];
	_ =	sdelay $0x4  }
0xa7: {  	v62 =	vshrl.u32 v3, $0x3  }
0xa8: {  	v4 =	vmul.u32 $0x30, v62  }
0xa9: {  	v3 =	vand.u32 $0x7, v3  }
0xaa: {  	v3 =	vor.u32 v3, v4  }
0xab: {  	v4 =	vperm.xlane v3, v0;
	_ =	sdelay $0x1  }
0xac: {  	v4 =	vadd.s32 v1, v4;
	_ =	sdelay $0x3  }
0xad: {  	v3 =	vperm.xlane v3, v2  }
0xae: {  	[tilespmem:s17], [sflag:$0x2] =	stream.indirect_vreg.gather [hbm4b:s1+s3], $0x80, v4, vm0, $0xb8;
	[tilespmem:$0x18100] =	vst v63  }
0xaf: {  	v3 =	vadd.s32 v1, v3  }
0xb0: {  	[tilespmem:s18], [sflag:$0x2] =	stream.indirect_vreg.gather [hbm4b:s4+s3], $0x80, v4, vm0, $0xb8;
	[tilespmem:$0x18100] =	vst v63  }
0xb1: {  	_ = 	snop  }
0xb2: {  	[tilespmem:s19], [sflag:$0x2] =	stream.indirect_vreg.gather [hbm4b:s5+s3], $0x80, v4, vm0, $0xb8;
	[tilespmem:$0x18100] =	vst v63  }
0xb3: {  	_ = 	snop  }
0xb4: {  	[tilespmem:s20], [sflag:$0x2] =	stream.indirect_vreg.gather [hbm4b:s1+s3], $0x80, v3, vm0, $0xb8;
	[tilespmem:$0x18100] =	vst v63  }
0xb5: {  	_ = 	snop  }
0xb6: {  	[tilespmem:s21], [sflag:$0x2] =	stream.indirect_vreg.gather [hbm4b:s4+s3], $0x80, v3, vm0, $0xb8;
	[tilespmem:$0x18100] =	vst v63  }
0xb7: {  	_ = 	snop  }
0xb8: {  	[tilespmem:s22], [sflag:$0x2] =	stream.indirect_vreg.gather [hbm4b:s5+s3], $0x80, v3, vm0, $0xb8;
	[tilespmem:$0x18100] =	vst v63  }
0xb9: {  	v3 =	vld [tilespmem:$0xB0];
	_ =	sdelay $0x4  }
0xba: {  	v63 =	vshrl.u32 v3, $0x3  }
0xbb: {  	v4 =	vmul.u32 $0x30, v63  }
0xbc: {  	v3 =	vand.u32 $0x7, v3  }
0xbd: {  	v3 =	vor.u32 v3, v4  }
0xbe: {  	v4 =	vperm.xlane v3, v0;
	_ =	sdelay $0x1  }
0xbf: {  	v4 =	vadd.s32 v1, v4;
	_ =	sdelay $0x3  }
0xc0: {  	v3 =	vperm.xlane v3, v2  }
0xc1: {  	[tilespmem:s23], [sflag:$0x2] =	stream.indirect_vreg.gather [hbm4b:s1+s3], $0x80, v4, vm0, $0xb8;
	[tilespmem:$0x18100] =	vst v63  }
0xc2: {  	v3 =	vadd.s32 v1, v3  }
0xc3: {  	[tilespmem:s24], [sflag:$0x2] =	stream.indirect_vreg.gather [hbm4b:s4+s3], $0x80, v4, vm0, $0xb8;
	[tilespmem:$0x18100] =	vst v63  }
0xc4: {  	_ = 	snop  }
0xc5: {  	[tilespmem:s25], [sflag:$0x2] =	stream.indirect_vreg.gather [hbm4b:s5+s3], $0x80, v4, vm0, $0xb8;
	[tilespmem:$0x18100] =	vst v63  }
0xc6: {  	_ = 	snop  }
0xc7: {  	[tilespmem:s26], [sflag:$0x2] =	stream.indirect_vreg.gather [hbm4b:s1+s3], $0x80, v3, vm0, $0xb8;
	[tilespmem:$0x18100] =	vst v63  }
0xc8: {  	_ = 	snop  }
0xc9: {  	[tilespmem:s28], [sflag:$0x2] =	stream.indirect_vreg.gather [hbm4b:s4+s3], $0x80, v3, vm0, $0xb8;
	[tilespmem:$0x18100] =	vst v63  }
0xca: {  	_ = 	snop  }
0xcb: {  	[tilespmem:s29], [sflag:$0x2] =	stream.indirect_vreg.gather [hbm4b:s5+s3], $0x80, v3, vm0, $0xb8;
	[tilespmem:$0x18100] =	vst v63  }
0xcc: {  	_ =	swait.ge [sflag:s30], $0xC000  }
0xcd: {  	[sflag:s30] =	ssyncset.done $0x0  }
0xce: {  	s10 =	rddreg [dreg:$0x6];
	[sflag:s30] =	ssyncadd.s32 $0xFFFF4000  }
0xcf: {  	[hbm4b:s10+s3] =	stream.linear.scatter [tilespmem:s8], [sflag:$0x3], $0xC000, $0x38;
	[tilespmem:$0x18100] =	vst v63  }
0xd0: {  	_ =	swait.ge [sflag:s31], $0xC000  }
0xd1: {  	[sflag:s31] =	ssyncset.done $0x0  }
0xd2: {  	s11 =	rddreg [dreg:$0x7];
	[sflag:s31] =	ssyncadd.s32 $0xFFFF4000  }
0xd3: {  	[hbm4b:s11+s3] =	stream.linear.scatter [tilespmem:s9], [sflag:$0x3], $0xC000, $0x38;
	[tilespmem:$0x18100] =	vst v63  }
0xd4: {  	p0 =	sne.s32 s6, $0x1;
	_ =	swait.ge [sflag:s0], $0xC000  }
.Ltmp0:
0xd5: {  	[sflag:s0] =	ssyncset.done $0x0;
	(pc) =	sbr.rel @p0 .LBB2_1-.Ltmp0, $4  }
0xd6: {  	[sflag:s0] =	ssyncadd.s32 $0xFFFF4000  }
0xd7: {  	_ =	swait.ge [sflag:s0], $0xC000  }
0xd8: {  	[sflag:s0] =	ssyncset.done $0x0  }
0xd9: {  	s6 =	sadd.s32 $0xFFFFFFFF, s6;
	[sflag:s0] =	ssyncadd.s32 $0xFFFF4000  }
0xda: {  	_ =	sfence.sel $0x180000  }
0xdb: {  	[bflag:$0x0] =	sbarrier.arrive $0xFFFF  }
0xdc: {  	_ =	strace $0x90000047  }
0xdd: {  	s0 =	stileid.u32;
	[bflag:$0x2] =	sbarrier.arrive $0xFFFF  }
0xde: {  	p0 =	sne.s32 s0, $0x0;
	s0 =	rddreg [dreg:$0x3]  }
0xdf: {  	s0 =	sadd.s32 @!p0 $0x100000, s0  }
0xe0: {  	[sflag:s0] =	ssyncadd.tile.s32 @!p0 $0x1;
	_ =	shalt  }
.Lfunc_end2:
_tile_overlayer_lowered:
.L_overlay_start_2:
0xe1: {  	(tag) =	ssettag $0x2  }
0xe2: {  	s0 =	rddreg [dreg:$0x0];
	s2 =	stileid.u32  }
0xe3: {  	s1 =	rddreg [dreg:$0x1];
	p0 =	sne.s32 s2, $0x0  }
0xe4: {  	s3 =	rddreg [dreg:$0x2];
	[bflag:$0x3] =	sbarrier.arrive $0xFFFF;
	s2 =	simm.s32 @!p0 $0x1C04  }
0xe5: {  	[timem:s3], [sflag:s2] =	dma.local @!p0 [hbm:s0], s1  }
0xe6: {  	s0 =	simm.s32 @!p0 $0x4  }
0xe7: {  	_ =	swait.ge @!p0 [sflag:s0], s1  }
0xe8: {  	s1 =	ssub.s32 @!p0 $0x0, s1;
	[sflag:s0] =	ssyncset.done @!p0 $0x0  }
0xe9: {  	[sflag:s0] =	ssyncadd.s32 @!p0 s1  }
0xea: {  	[bflag:$0x3] =	sbarrier.arrive $0xFFFF  }
0xeb: {  	_ =	shalt  }

</sc_bundles>
